<compile_context>
chip_gen: v7x
topology: tpu7x:2x2x1
jax: 0.10.2.dev20260603
libtpu: 0.0.44.dev20260713+nightly
codegen_flags: <defaults>
</compile_context>

<pallas_src>
import functools

import jax
import jax.numpy as jnp
from jax import lax
from jax.experimental import pallas as pl
from jax.experimental.pallas import tpu as pltpu
from jax.experimental.pallas import tpu_sc as plsc

VOCAB = 100000
EMBED = 128

_TBL_BLK = 4000
_PROJ_BLK = 5120
_GATHER_CHUNK = 320
_CHUNK_UNITS = ((0, 1), (1, 2), (3, 5), (8, 6), (14, 6))
_UNIT_ROWS = 2 * _PROJ_BLK


def _fuse_tables_body(c_ref, d_ref, r_ref, w_ref, b_ref, t_ref):
    w = w_ref[...]
    w1 = w[:, :EMBED]
    w2 = w[:, EMBED:]
    dn = (((1,), (1,)), ((), ()))
    acc = lax.dot_general(c_ref[...], (w1 + w2) * 0.25, dn,
                          preferred_element_type=jnp.float32)
    acc += lax.dot_general(d_ref[...], w1 * 0.5, dn,
                           preferred_element_type=jnp.float32)
    acc += lax.dot_general(r_ref[...], w2 * 0.5, dn,
                           preferred_element_type=jnp.float32)
    t_ref[...] = acc + b_ref[...]


def _fuse_tables(c, d, r, w, b2d):
    n_blk = VOCAB // _TBL_BLK
    tbl_spec = pl.BlockSpec((_TBL_BLK, EMBED), lambda i: (i, 0))
    return pl.pallas_call(
        _fuse_tables_body,
        grid=(n_blk,),
        in_specs=[tbl_spec, tbl_spec, tbl_spec,
                  pl.BlockSpec((EMBED, 2 * EMBED), lambda i: (0, 0)),
                  pl.BlockSpec((1, EMBED), lambda i: (0, 0))],
        out_specs=tbl_spec,
        out_shape=jax.ShapeDtypeStruct((VOCAB, EMBED), jnp.float32),
        name="fuse_tables",
    )(c, d, r, w, b2d)


def _proj_add_body(x_ref, g_ref, w_ref, o_ref):
    w = w_ref[...]
    ws = (w[:, :EMBED] + w[:, EMBED:]) * 0.25
    dn = (((1,), (1,)), ((), ()))
    o_ref[...] = lax.dot_general(x_ref[...], ws, dn,
                                 preferred_element_type=jnp.float32
                                 ) + g_ref[...]


def _proj_add_chunk(ci, x, g, w, prev_out):
    n = x.shape[0]
    u0, ku = ci
    steps = ku * (_UNIT_ROWS // _PROJ_BLK)
    off = u0 * (_UNIT_ROWS // _PROJ_BLK)
    row_spec = pl.BlockSpec((_PROJ_BLK, EMBED), lambda i: (off + i, 0))
    operands = [x, g, w]
    in_specs = [row_spec, row_spec,
                pl.BlockSpec((EMBED, 2 * EMBED), lambda i: (0, 0))]
    aliases = {}
    if prev_out is not None:
        operands.append(prev_out)
        in_specs.append(pl.BlockSpec(memory_space=pl.ANY))
        aliases = {3: 0}

    def body(x_ref, g_ref, w_ref, *rest):
        _proj_add_body(x_ref, g_ref, w_ref, rest[-1])

    return pl.pallas_call(
        body,
        grid=(steps,),
        in_specs=in_specs,
        out_specs=row_spec,
        out_shape=jax.ShapeDtypeStruct((n, EMBED), jnp.float32),
        input_output_aliases=aliases,
        name=f"proj_add_{ci[0]}",
    )(*operands)


@functools.cache
def _make_gather(n_rows, u0, ku):
    info = plsc.get_sparse_core_info()
    nc, ns = info.num_cores, info.num_subcores
    nw = nc * ns
    chunks = ku * _UNIT_ROWS // nw // _GATHER_CHUNK
    mesh = plsc.VectorSubcoreMesh(core_axis_name="c", subcore_axis_name="s")

    @functools.partial(
        pl.kernel,
        mesh=mesh,
        out_type=jax.ShapeDtypeStruct((n_rows, EMBED), jnp.float32),
        scratch_types=[
            pltpu.VMEM((chunks * _GATHER_CHUNK,), jnp.int32),
            pltpu.VMEM((_GATHER_CHUNK, EMBED), jnp.float32),
            pltpu.VMEM((_GATHER_CHUNK, EMBED), jnp.float32),
            pltpu.SemaphoreType.DMA,
            pltpu.SemaphoreType.DMA,
            pltpu.SemaphoreType.DMA,
            pltpu.SemaphoreType.DMA,
        ],
        name=f"sc_gather_{u0}",
    )
    def gather(t_hbm, idx_hbm, out_hbm, idx_v, rows0, rows1,
               gsem0, gsem1, wsem0, wsem1):
        wid = lax.axis_index("s") * nc + lax.axis_index("c")
        base = u0 * _UNIT_ROWS + wid * chunks * _GATHER_CHUNK
        pltpu.sync_copy(idx_hbm.at[pl.ds(base, chunks * _GATHER_CHUNK)],
                        idx_v)

        def idx_at(j):
            return idx_v.at[pl.ds(j * _GATHER_CHUNK, _GATHER_CHUNK)]

        def dst(j):
            return out_hbm.at[pl.ds(base + j * _GATHER_CHUNK, _GATHER_CHUNK)]

        bufs = (rows0, rows1)
        gsems = (gsem0, gsem1)
        wsems = (wsem0, wsem1)
        pending = [None, None]
        pltpu.async_copy(t_hbm.at[idx_at(0)], rows0, gsem0)
        for j in range(chunks):
            cur = j % 2
            pltpu.make_async_copy(t_hbm.at[idx_at(j)], bufs[cur],
                                  gsems[cur]).wait()
            if j + 1 < chunks:
                nxt = (j + 1) % 2
                if pending[nxt] is not None:
                    pltpu.make_async_copy(bufs[nxt], dst(pending[nxt]),
                                          wsems[nxt]).wait()
                    pending[nxt] = None
                pltpu.async_copy(t_hbm.at[idx_at(j + 1)], bufs[nxt],
                                 gsems[nxt])
            pltpu.async_copy(bufs[cur], dst(j), wsems[cur])
            pending[cur] = j
        for par in (0, 1):
            if pending[par] is not None:
                pltpu.make_async_copy(bufs[par], dst(pending[par]),
                                      wsems[par]).wait()

    return gather


def kernel(word_embeddings, texts, common_tbl, demo_tbl, rep_tbl, W, b):
    bsz, seq, emb = word_embeddings.shape
    n = bsz * seq
    info = plsc.get_sparse_core_info()
    nw = info.num_cores * info.num_subcores
    idx_flat = texts.reshape(n).astype(jnp.int32)
    fused_tbl = _fuse_tables(common_tbl, demo_tbl, rep_tbl, W,
                             b.reshape(1, emb))
    gathered = [_make_gather(n, u0, ku)(fused_tbl, idx_flat)
                for (u0, ku) in _CHUNK_UNITS]
    we_flat = word_embeddings.reshape(n, emb)
    out = None
    for g, cu in zip(gathered, _CHUNK_UNITS):
        out = _proj_add_chunk(cu, we_flat, g, W, out)
    return out.reshape(bsz, seq, emb)

# --- scband reference (transcript-rebuilt; emitter-appended) ---
"""Pipeline reference for scband-knowledge-encoding-25486335935248 (READ-ONLY COPY).

The authoritative reference and input builder live on the scoring server;
editing this copy changes nothing except your own understanding.
"""

import jax, jax.numpy as jnp
import numpy as np

VOCAB = 100000
EMBED = 128
B = 1024
L = 200
ALPHA = 0.5
BETA = 0.5

def setup_inputs(seed: int = 0) -> dict:
    key = jax.random.key(seed)
    k1, k2, k3, k4, k5, k6, k7 = jax.random.split(key, 7)
    word_embeddings = jax.random.normal(k1, (B, L, EMBED), dtype=jnp.float32)
    texts = jax.random.randint(k2, (B, L), 0, VOCAB, dtype=jnp.int64) if jax.config.jax_enable_x64 else jax.random.randint(k2, (B, L), 0, VOCAB, dtype=jnp.int32)
    common_tbl = jax.random.normal(k3, (VOCAB, EMBED), dtype=jnp.float32) * 0.02
    demo_tbl = jax.random.normal(k4, (VOCAB, EMBED), dtype=jnp.float32) * 0.02
    rep_tbl = jax.random.normal(k5, (VOCAB, EMBED), dtype=jnp.float32) * 0.02
    W = jax.random.uniform(k6, (EMBED, EMBED * 2), minval=-0.5, maxval=0.5, dtype=jnp.float32)
    b = jnp.zeros((EMBED,), dtype=jnp.float32)
    return {"word_embeddings": word_embeddings, "texts": texts,
            "common_tbl": common_tbl, "demo_tbl": demo_tbl, "rep_tbl": rep_tbl,
            "W": W, "b": b}

def reference(word_embeddings, texts, common_tbl, demo_tbl, rep_tbl, W, b):
    # embedding lookups (gather)
    common_emb = jnp.take(common_tbl, texts, axis=0)
    demo_emb = jnp.take(demo_tbl, texts, axis=0)
    rep_emb = jnp.take(rep_tbl, texts, axis=0)
    emb_with_ckwldg = word_embeddings * ALPHA + common_emb * (1.0 - ALPHA)
    demo_knwldg = emb_with_ckwldg * BETA + demo_emb * (1.0 - BETA)
    rep_knwldg = emb_with_ckwldg * BETA + rep_emb * (1.0 - BETA)
    fused = jnp.concatenate((demo_knwldg, rep_knwldg), axis=2)
    out = jnp.einsum('ble,oe->blo', fused, W) + b
    # dropout p=0.0 (eval) -> identity
    return out

if __name__ == "__main__":
    import jax
    _d = setup_inputs()
    print(jax.jit(kernel)(*tuple(_d.values())))

</pallas_src>

<mosaic_0001>
#map = affine_map<(d0, d1) -> (0, 0)>
#map1 = affine_map<(d0, d1) -> (0)>
module attributes {stable_mosaic.version = 14 : i64} {
  func.func @sc_gather_1(%arg0: i32, %arg1: i32, %arg2: memref<100000x128xf32, #tpu.memory_space<hbm>>, %arg3: memref<204800xi32, #tpu.memory_space<hbm>>, %arg4: memref<204800x128xf32, #tpu.memory_space<hbm>>, %arg5: memref<640xi32, #tpu.memory_space<vmem>>, %arg6: memref<320x128xf32, #tpu.memory_space<vmem>>, %arg7: memref<320x128xf32, #tpu.memory_space<vmem>>, %arg8: memref<!tpu.dma_semaphore, #tpu.memory_space<semaphore_mem>>, %arg9: memref<!tpu.dma_semaphore, #tpu.memory_space<semaphore_mem>>, %arg10: memref<!tpu.dma_semaphore, #tpu.memory_space<semaphore_mem>>, %arg11: memref<!tpu.dma_semaphore, #tpu.memory_space<semaphore_mem>>) attributes {dimension_semantics = [#tpu.dimension_semantics<core_parallel>, #tpu.dimension_semantics<subcore_parallel>], iteration_bounds = array<i64: 2, 16>, scalar_prefetch = 0 : i64, scratch_operands = 7 : i64, tpu.core_type = #tpu.core_type<sc_vector_subcore>, window_params = [{transform_indices = #map}, {transform_indices = #map1}, {transform_indices = #map}]} {
    %mul3A = arith.constant 2 : i32
    %mul3A_0 = arith.muli %arg1, %mul3A : i32
    %add3A = arith.addi %mul3A_0, %arg0 : i32
    %mul3A_1 = arith.constant 2 : i32
    %mul3A_2 = arith.muli %add3A, %mul3A_1 : i32
    %mul3A_3 = arith.constant 320 : i32
    %mul3A_4 = arith.muli %mul3A_2, %mul3A_3 : i32
    %add3A_5 = arith.constant 10240 : i32
    %add3A_6 = arith.addi %add3A_5, %mul3A_4 : i32
    "tpu.region"() ({
      %run_scoped3A = tpu.sem_alloc : memref<!tpu.dma_semaphore, #tpu.memory_space<semaphore_mem>>
      %dma_start3A_49 = tpu.memref_slice %arg3[%add3A_6] : memref<204800xi32, #tpu.memory_space<hbm>> -> memref<640xi32, #tpu.memory_space<hbm>>
      %dma_start3A_50 = tpu.memref_slice %arg3[%add3A_6] : memref<204800xi32, #tpu.memory_space<hbm>> -> memref<640xi32, #tpu.memory_space<hbm>>
      tpu.enqueue_dma source(%dma_start3A_50 : memref<640xi32, #tpu.memory_space<hbm>>) target(%arg5 : memref<640xi32, #tpu.memory_space<vmem>>) target_semaphore(%run_scoped3A : memref<!tpu.dma_semaphore, #tpu.memory_space<semaphore_mem>>)
      %dma_wait3A_51 = tpu.memref_slice %arg3[%add3A_6] : memref<204800xi32, #tpu.memory_space<hbm>> -> memref<640xi32, #tpu.memory_space<hbm>>
      %dma_wait3A_52 = tpu.memref_slice %arg3[%add3A_6] : memref<204800xi32, #tpu.memory_space<hbm>> -> memref<640xi32, #tpu.memory_space<hbm>>
      tpu.wait_dma2 semaphore(%run_scoped3A : memref<!tpu.dma_semaphore, #tpu.memory_space<semaphore_mem>>) src(%dma_wait3A_52 : memref<640xi32, #tpu.memory_space<hbm>>) dst(%arg5 : memref<640xi32, #tpu.memory_space<vmem>>)
      tpu.yield
    }) : () -> ()
    %dma_start3A = arith.constant 0 : i32
    %dma_start3A_7 = tpu.memref_slice %arg5[%dma_start3A] : memref<640xi32, #tpu.memory_space<vmem>> -> memref<320xi32, #tpu.memory_space<vmem>>
    %dma_start3A_8 = arith.constant 0 : i32
    %dma_start3A_9 = arith.constant 0 : i32
    %dma_start3A_10 = tpu.memref_slice %arg2[%dma_start3A_8, %dma_start3A_9] : memref<100000x128xf32, #tpu.memory_space<hbm>> -> memref<100000x128xf32, #tpu.memory_space<hbm>>
    tpu.enqueue_indirect_dma source(%dma_start3A_10 : memref<100000x128xf32, #tpu.memory_space<hbm>>) target(%arg6 : memref<320x128xf32, #tpu.memory_space<vmem>>) offsets(%dma_start3A_7 : memref<320xi32, #tpu.memory_space<vmem>>) semaphore(%arg8 : memref<!tpu.dma_semaphore, #tpu.memory_space<semaphore_mem>>)
    %dma_wait3A = arith.constant 0 : i32
    %dma_wait3A_11 = tpu.memref_slice %arg5[%dma_wait3A] : memref<640xi32, #tpu.memory_space<vmem>> -> memref<320xi32, #tpu.memory_space<vmem>>
    %dma_wait3A_12 = arith.constant 0 : i32
    %dma_wait3A_13 = arith.constant 0 : i32
    %dma_wait3A_14 = tpu.memref_slice %arg2[%dma_wait3A_12, %dma_wait3A_13] : memref<100000x128xf32, #tpu.memory_space<hbm>> -> memref<100000x128xf32, #tpu.memory_space<hbm>>
    tpu.wait_indirect_dma semaphore(%arg8 : memref<!tpu.dma_semaphore, #tpu.memory_space<semaphore_mem>>) src(%dma_wait3A_14 : memref<100000x128xf32, #tpu.memory_space<hbm>>) dst(%arg6 : memref<320x128xf32, #tpu.memory_space<vmem>>)
    %dma_start3A_15 = arith.constant 320 : i32
    %dma_start3A_16 = tpu.memref_slice %arg5[%dma_start3A_15] : memref<640xi32, #tpu.memory_space<vmem>> -> memref<320xi32, #tpu.memory_space<vmem>>
    %dma_start3A_17 = arith.constant 0 : i32
    %dma_start3A_18 = arith.constant 0 : i32
    %dma_start3A_19 = tpu.memref_slice %arg2[%dma_start3A_17, %dma_start3A_18] : memref<100000x128xf32, #tpu.memory_space<hbm>> -> memref<100000x128xf32, #tpu.memory_space<hbm>>
    tpu.enqueue_indirect_dma source(%dma_start3A_19 : memref<100000x128xf32, #tpu.memory_space<hbm>>) target(%arg7 : memref<320x128xf32, #tpu.memory_space<vmem>>) offsets(%dma_start3A_16 : memref<320xi32, #tpu.memory_space<vmem>>) semaphore(%arg9 : memref<!tpu.dma_semaphore, #tpu.memory_space<semaphore_mem>>)
    %add3A_20 = arith.constant 0 : i32
    %add3A_21 = arith.addi %add3A_6, %add3A_20 : i32
    %dma_start3A_22 = arith.constant 0 : i32
    %dma_start3A_23 = tpu.memref_slice %arg4[%add3A_21, %dma_start3A_22] : memref<204800x128xf32, #tpu.memory_space<hbm>> -> memref<320x128xf32, #tpu.memory_space<hbm>>
    %dma_start3A_24 = arith.constant 0 : i32
    %dma_start3A_25 = tpu.memref_slice %arg4[%add3A_21, %dma_start3A_24] : memref<204800x128xf32, #tpu.memory_space<hbm>> -> memref<320x128xf32, #tpu.memory_space<hbm>>
    tpu.enqueue_dma source(%arg6 : memref<320x128xf32, #tpu.memory_space<vmem>>) target(%dma_start3A_25 : memref<320x128xf32, #tpu.memory_space<hbm>>) target_semaphore(%arg10 : memref<!tpu.dma_semaphore, #tpu.memory_space<semaphore_mem>>)
    %dma_wait3A_26 = arith.constant 320 : i32
    %dma_wait3A_27 = tpu.memref_slice %arg5[%dma_wait3A_26] : memref<640xi32, #tpu.memory_space<vmem>> -> memref<320xi32, #tpu.memory_space<vmem>>
    %dma_wait3A_28 = arith.constant 0 : i32
    %dma_wait3A_29 = arith.constant 0 : i32
    %dma_wait3A_30 = tpu.memref_slice %arg2[%dma_wait3A_28, %dma_wait3A_29] : memref<100000x128xf32, #tpu.memory_space<hbm>> -> memref<100000x128xf32, #tpu.memory_space<hbm>>
    tpu.wait_indirect_dma semaphore(%arg9 : memref<!tpu.dma_semaphore, #tpu.memory_space<semaphore_mem>>) src(%dma_wait3A_30 : memref<100000x128xf32, #tpu.memory_space<hbm>>) dst(%arg7 : memref<320x128xf32, #tpu.memory_space<vmem>>)
    %add3A_31 = arith.constant 320 : i32
    %add3A_32 = arith.addi %add3A_6, %add3A_31 : i32
    %dma_start3A_33 = arith.constant 0 : i32
    %dma_start3A_34 = tpu.memref_slice %arg4[%add3A_32, %dma_start3A_33] : memref<204800x128xf32, #tpu.memory_space<hbm>> -> memref<320x128xf32, #tpu.memory_space<hbm>>
    %dma_start3A_35 = arith.constant 0 : i32
    %dma_start3A_36 = tpu.memref_slice %arg4[%add3A_32, %dma_start3A_35] : memref<204800x128xf32, #tpu.memory_space<hbm>> -> memref<320x128xf32, #tpu.memory_space<hbm>>
    tpu.enqueue_dma source(%arg7 : memref<320x128xf32, #tpu.memory_space<vmem>>) target(%dma_start3A_36 : memref<320x128xf32, #tpu.memory_space<hbm>>) target_semaphore(%arg11 : memref<!tpu.dma_semaphore, #tpu.memory_space<semaphore_mem>>)
    %add3A_37 = arith.constant 0 : i32
    %add3A_38 = arith.addi %add3A_6, %add3A_37 : i32
    %dma_wait3A_39 = arith.constant 0 : i32
    %dma_wait3A_40 = tpu.memref_slice %arg4[%add3A_38, %dma_wait3A_39] : memref<204800x128xf32, #tpu.memory_space<hbm>> -> memref<320x128xf32, #tpu.memory_space<hbm>>
    %dma_wait3A_41 = arith.constant 0 : i32
    %dma_wait3A_42 = tpu.memref_slice %arg4[%add3A_38, %dma_wait3A_41] : memref<204800x128xf32, #tpu.memory_space<hbm>> -> memref<320x128xf32, #tpu.memory_space<hbm>>
    tpu.wait_dma2 semaphore(%arg10 : memref<!tpu.dma_semaphore, #tpu.memory_space<semaphore_mem>>) src(%arg6 : memref<320x128xf32, #tpu.memory_space<vmem>>) dst(%dma_wait3A_42 : memref<320x128xf32, #tpu.memory_space<hbm>>)
    %add3A_43 = arith.constant 320 : i32
    %add3A_44 = arith.addi %add3A_6, %add3A_43 : i32
    %dma_wait3A_45 = arith.constant 0 : i32
    %dma_wait3A_46 = tpu.memref_slice %arg4[%add3A_44, %dma_wait3A_45] : memref<204800x128xf32, #tpu.memory_space<hbm>> -> memref<320x128xf32, #tpu.memory_space<hbm>>
    %dma_wait3A_47 = arith.constant 0 : i32
    %dma_wait3A_48 = tpu.memref_slice %arg4[%add3A_44, %dma_wait3A_47] : memref<204800x128xf32, #tpu.memory_space<hbm>> -> memref<320x128xf32, #tpu.memory_space<hbm>>
    tpu.wait_dma2 semaphore(%arg11 : memref<!tpu.dma_semaphore, #tpu.memory_space<semaphore_mem>>) src(%arg7 : memref<320x128xf32, #tpu.memory_space<vmem>>) dst(%dma_wait3A_48 : memref<320x128xf32, #tpu.memory_space<hbm>>)
    return
  }
}

#map = affine_map<(d0, d1) -> (0, 0)>
#map1 = affine_map<(d0, d1) -> (0)>
module attributes {stable_mosaic.version = 14 : i64} {
  func.func @sc_gather_3(%arg0: i32, %arg1: i32, %arg2: memref<100000x128xf32, #tpu.memory_space<hbm>>, %arg3: memref<204800xi32, #tpu.memory_space<hbm>>, %arg4: memref<204800x128xf32, #tpu.memory_space<hbm>>, %arg5: memref<1600xi32, #tpu.memory_space<vmem>>, %arg6: memref<320x128xf32, #tpu.memory_space<vmem>>, %arg7: memref<320x128xf32, #tpu.memory_space<vmem>>, %arg8: memref<!tpu.dma_semaphore, #tpu.memory_space<semaphore_mem>>, %arg9: memref<!tpu.dma_semaphore, #tpu.memory_space<semaphore_mem>>, %arg10: memref<!tpu.dma_semaphore, #tpu.memory_space<semaphore_mem>>, %arg11: memref<!tpu.dma_semaphore, #tpu.memory_space<semaphore_mem>>) attributes {dimension_semantics = [#tpu.dimension_semantics<core_parallel>, #tpu.dimension_semantics<subcore_parallel>], iteration_bounds = array<i64: 2, 16>, scalar_prefetch = 0 : i64, scratch_operands = 7 : i64, tpu.core_type = #tpu.core_type<sc_vector_subcore>, window_params = [{transform_indices = #map}, {transform_indices = #map1}, {transform_indices = #map}]} {
    %mul3A = arith.constant 2 : i32
    %mul3A_0 = arith.muli %arg1, %mul3A : i32
    %add3A = arith.addi %mul3A_0, %arg0 : i32
    %mul3A_1 = arith.constant 5 : i32
    %mul3A_2 = arith.muli %add3A, %mul3A_1 : i32
    %mul3A_3 = arith.constant 320 : i32
    %mul3A_4 = arith.muli %mul3A_2, %mul3A_3 : i32
    %add3A_5 = arith.constant 30720 : i32
    %add3A_6 = arith.addi %add3A_5, %mul3A_4 : i32
    "tpu.region"() ({
      %run_scoped3A = tpu.sem_alloc : memref<!tpu.dma_semaphore, #tpu.memory_space<semaphore_mem>>
      %dma_start3A_115 = tpu.memref_slice %arg3[%add3A_6] : memref<204800xi32, #tpu.memory_space<hbm>> -> memref<1600xi32, #tpu.memory_space<hbm>>
      %dma_start3A_116 = tpu.memref_slice %arg3[%add3A_6] : memref<204800xi32, #tpu.memory_space<hbm>> -> memref<1600xi32, #tpu.memory_space<hbm>>
      tpu.enqueue_dma source(%dma_start3A_116 : memref<1600xi32, #tpu.memory_space<hbm>>) target(%arg5 : memref<1600xi32, #tpu.memory_space<vmem>>) target_semaphore(%run_scoped3A : memref<!tpu.dma_semaphore, #tpu.memory_space<semaphore_mem>>)
      %dma_wait3A_117 = tpu.memref_slice %arg3[%add3A_6] : memref<204800xi32, #tpu.memory_space<hbm>> -> memref<1600xi32, #tpu.memory_space<hbm>>
      %dma_wait3A_118 = tpu.memref_slice %arg3[%add3A_6] : memref<204800xi32, #tpu.memory_space<hbm>> -> memref<1600xi32, #tpu.memory_space<hbm>>
      tpu.wait_dma2 semaphore(%run_scoped3A : memref<!tpu.dma_semaphore, #tpu.memory_space<semaphore_mem>>) src(%dma_wait3A_118 : memref<1600xi32, #tpu.memory_space<hbm>>) dst(%arg5 : memref<1600xi32, #tpu.memory_space<vmem>>)
      tpu.yield
    }) : () -> ()
    %dma_start3A = arith.constant 0 : i32
    %dma_start3A_7 = tpu.memref_slice %arg5[%dma_start3A] : memref<1600xi32, #tpu.memory_space<vmem>> -> memref<320xi32, #tpu.memory_space<vmem>>
    %dma_start3A_8 = arith.constant 0 : i32
    %dma_start3A_9 = arith.constant 0 : i32
    %dma_start3A_10 = tpu.memref_slice %arg2[%dma_start3A_8, %dma_start3A_9] : memref<100000x128xf32, #tpu.memory_space<hbm>> -> memref<100000x128xf32, #tpu.memory_space<hbm>>
    tpu.enqueue_indirect_dma source(%dma_start3A_10 : memref<100000x128xf32, #tpu.memory_space<hbm>>) target(%arg6 : memref<320x128xf32, #tpu.memory_space<vmem>>) offsets(%dma_start3A_7 : memref<320xi32, #tpu.memory_space<vmem>>) semaphore(%arg8 : memref<!tpu.dma_semaphore, #tpu.memory_space<semaphore_mem>>)
    %dma_wait3A = arith.constant 0 : i32
    %dma_wait3A_11 = tpu.memref_slice %arg5[%dma_wait3A] : memref<1600xi32, #tpu.memory_space<vmem>> -> memref<320xi32, #tpu.memory_space<vmem>>
    %dma_wait3A_12 = arith.constant 0 : i32
    %dma_wait3A_13 = arith.constant 0 : i32
    %dma_wait3A_14 = tpu.memref_slice %arg2[%dma_wait3A_12, %dma_wait3A_13] : memref<100000x128xf32, #tpu.memory_space<hbm>> -> memref<100000x128xf32, #tpu.memory_space<hbm>>
    tpu.wait_indirect_dma semaphore(%arg8 : memref<!tpu.dma_semaphore, #tpu.memory_space<semaphore_mem>>) src(%dma_wait3A_14 : memref<100000x128xf32, #tpu.memory_space<hbm>>) dst(%arg6 : memref<320x128xf32, #tpu.memory_space<vmem>>)
    %dma_start3A_15 = arith.constant 320 : i32
    %dma_start3A_16 = tpu.memref_slice %arg5[%dma_start3A_15] : memref<1600xi32, #tpu.memory_space<vmem>> -> memref<320xi32, #tpu.memory_space<vmem>>
    %dma_start3A_17 = arith.constant 0 : i32
    %dma_start3A_18 = arith.constant 0 : i32
    %dma_start3A_19 = tpu.memref_slice %arg2[%dma_start3A_17, %dma_start3A_18] : memref<100000x128xf32, #tpu.memory_space<hbm>> -> memref<100000x128xf32, #tpu.memory_space<hbm>>
    tpu.enqueue_indirect_dma source(%dma_start3A_19 : memref<100000x128xf32, #tpu.memory_space<hbm>>) target(%arg7 : memref<320x128xf32, #tpu.memory_space<vmem>>) offsets(%dma_start3A_16 : memref<320xi32, #tpu.memory_space<vmem>>) semaphore(%arg9 : memref<!tpu.dma_semaphore, #tpu.memory_space<semaphore_mem>>)
    %add3A_20 = arith.constant 0 : i32
    %add3A_21 = arith.addi %add3A_6, %add3A_20 : i32
    %dma_start3A_22 = arith.constant 0 : i32
    %dma_start3A_23 = tpu.memref_slice %arg4[%add3A_21, %dma_start3A_22] : memref<204800x128xf32, #tpu.memory_space<hbm>> -> memref<320x128xf32, #tpu.memory_space<hbm>>
    %dma_start3A_24 = arith.constant 0 : i32
    %dma_start3A_25 = tpu.memref_slice %arg4[%add3A_21, %dma_start3A_24] : memref<204800x128xf32, #tpu.memory_space<hbm>> -> memref<320x128xf32, #tpu.memory_space<hbm>>
    tpu.enqueue_dma source(%arg6 : memref<320x128xf32, #tpu.memory_space<vmem>>) target(%dma_start3A_25 : memref<320x128xf32, #tpu.memory_space<hbm>>) target_semaphore(%arg10 : memref<!tpu.dma_semaphore, #tpu.memory_space<semaphore_mem>>)
    %dma_wait3A_26 = arith.constant 320 : i32
    %dma_wait3A_27 = tpu.memref_slice %arg5[%dma_wait3A_26] : memref<1600xi32, #tpu.memory_space<vmem>> -> memref<320xi32, #tpu.memory_space<vmem>>
    %dma_wait3A_28 = arith.constant 0 : i32
    %dma_wait3A_29 = arith.constant 0 : i32
    %dma_wait3A_30 = tpu.memref_slice %arg2[%dma_wait3A_28, %dma_wait3A_29] : memref<100000x128xf32, #tpu.memory_space<hbm>> -> memref<100000x128xf32, #tpu.memory_space<hbm>>
    tpu.wait_indirect_dma semaphore(%arg9 : memref<!tpu.dma_semaphore, #tpu.memory_space<semaphore_mem>>) src(%dma_wait3A_30 : memref<100000x128xf32, #tpu.memory_space<hbm>>) dst(%arg7 : memref<320x128xf32, #tpu.memory_space<vmem>>)
    %add3A_31 = arith.constant 0 : i32
    %add3A_32 = arith.addi %add3A_6, %add3A_31 : i32
    %dma_wait3A_33 = arith.constant 0 : i32
    %dma_wait3A_34 = tpu.memref_slice %arg4[%add3A_32, %dma_wait3A_33] : memref<204800x128xf32, #tpu.memory_space<hbm>> -> memref<320x128xf32, #tpu.memory_space<hbm>>
    %dma_wait3A_35 = arith.constant 0 : i32
    %dma_wait3A_36 = tpu.memref_slice %arg4[%add3A_32, %dma_wait3A_35] : memref<204800x128xf32, #tpu.memory_space<hbm>> -> memref<320x128xf32, #tpu.memory_space<hbm>>
    tpu.wait_dma2 semaphore(%arg10 : memref<!tpu.dma_semaphore, #tpu.memory_space<semaphore_mem>>) src(%arg6 : memref<320x128xf32, #tpu.memory_space<vmem>>) dst(%dma_wait3A_36 : memref<320x128xf32, #tpu.memory_space<hbm>>)
    %dma_start3A_37 = arith.constant 640 : i32
    %dma_start3A_38 = tpu.memref_slice %arg5[%dma_start3A_37] : memref<1600xi32, #tpu.memory_space<vmem>> -> memref<320xi32, #tpu.memory_space<vmem>>
    %dma_start3A_39 = arith.constant 0 : i32
    %dma_start3A_40 = arith.constant 0 : i32
    %dma_start3A_41 = tpu.memref_slice %arg2[%dma_start3A_39, %dma_start3A_40] : memref<100000x128xf32, #tpu.memory_space<hbm>> -> memref<100000x128xf32, #tpu.memory_space<hbm>>
    tpu.enqueue_indirect_dma source(%dma_start3A_41 : memref<100000x128xf32, #tpu.memory_space<hbm>>) target(%arg6 : memref<320x128xf32, #tpu.memory_space<vmem>>) offsets(%dma_start3A_38 : memref<320xi32, #tpu.memory_space<vmem>>) semaphore(%arg8 : memref<!tpu.dma_semaphore, #tpu.memory_space<semaphore_mem>>)
    %add3A_42 = arith.constant 320 : i32
    %add3A_43 = arith.addi %add3A_6, %add3A_42 : i32
    %dma_start3A_44 = arith.constant 0 : i32
    %dma_start3A_45 = tpu.memref_slice %arg4[%add3A_43, %dma_start3A_44] : memref<204800x128xf32, #tpu.memory_space<hbm>> -> memref<320x128xf32, #tpu.memory_space<hbm>>
    %dma_start3A_46 = arith.constant 0 : i32
    %dma_start3A_47 = tpu.memref_slice %arg4[%add3A_43, %dma_start3A_46] : memref<204800x128xf32, #tpu.memory_space<hbm>> -> memref<320x128xf32, #tpu.memory_space<hbm>>
    tpu.enqueue_dma source(%arg7 : memref<320x128xf32, #tpu.memory_space<vmem>>) target(%dma_start3A_47 : memref<320x128xf32, #tpu.memory_space<hbm>>) target_semaphore(%arg11 : memref<!tpu.dma_semaphore, #tpu.memory_space<semaphore_mem>>)
    %dma_wait3A_48 = arith.constant 640 : i32
    %dma_wait3A_49 = tpu.memref_slice %arg5[%dma_wait3A_48] : memref<1600xi32, #tpu.memory_space<vmem>> -> memref<320xi32, #tpu.memory_space<vmem>>
    %dma_wait3A_50 = arith.constant 0 : i32
    %dma_wait3A_51 = arith.constant 0 : i32
    %dma_wait3A_52 = tpu.memref_slice %arg2[%dma_wait3A_50, %dma_wait3A_51] : memref<100000x128xf32, #tpu.memory_space<hbm>> -> memref<100000x128xf32, #tpu.memory_space<hbm>>
    tpu.wait_indirect_dma semaphore(%arg8 : memref<!tpu.dma_semaphore, #tpu.memory_space<semaphore_mem>>) src(%dma_wait3A_52 : memref<100000x128xf32, #tpu.memory_space<hbm>>) dst(%arg6 : memref<320x128xf32, #tpu.memory_space<vmem>>)
    %add3A_53 = arith.constant 320 : i32
    %add3A_54 = arith.addi %add3A_6, %add3A_53 : i32
    %dma_wait3A_55 = arith.constant 0 : i32
    %dma_wait3A_56 = tpu.memref_slice %arg4[%add3A_54, %dma_wait3A_55] : memref<204800x128xf32, #tpu.memory_space<hbm>> -> memref<320x128xf32, #tpu.memory_space<hbm>>
    %dma_wait3A_57 = arith.constant 0 : i32
    %dma_wait3A_58 = tpu.memref_slice %arg4[%add3A_54, %dma_wait3A_57] : memref<204800x128xf32, #tpu.memory_space<hbm>> -> memref<320x128xf32, #tpu.memory_space<hbm>>
    tpu.wait_dma2 semaphore(%arg11 : memref<!tpu.dma_semaphore, #tpu.memory_space<semaphore_mem>>) src(%arg7 : memref<320x128xf32, #tpu.memory_space<vmem>>) dst(%dma_wait3A_58 : memref<320x128xf32, #tpu.memory_space<hbm>>)
    %dma_start3A_59 = arith.constant 960 : i32
    %dma_start3A_60 = tpu.memref_slice %arg5[%dma_start3A_59] : memref<1600xi32, #tpu.memory_space<vmem>> -> memref<320xi32, #tpu.memory_space<vmem>>
    %dma_start3A_61 = arith.constant 0 : i32
    %dma_start3A_62 = arith.constant 0 : i32
    %dma_start3A_63 = tpu.memref_slice %arg2[%dma_start3A_61, %dma_start3A_62] : memref<100000x128xf32, #tpu.memory_space<hbm>> -> memref<100000x128xf32, #tpu.memory_space<hbm>>
    tpu.enqueue_indirect_dma source(%dma_start3A_63 : memref<100000x128xf32, #tpu.memory_space<hbm>>) target(%arg7 : memref<320x128xf32, #tpu.memory_space<vmem>>) offsets(%dma_start3A_60 : memref<320xi32, #tpu.memory_space<vmem>>) semaphore(%arg9 : memref<!tpu.dma_semaphore, #tpu.memory_space<semaphore_mem>>)
    %add3A_64 = arith.constant 640 : i32
    %add3A_65 = arith.addi %add3A_6, %add3A_64 : i32
    %dma_start3A_66 = arith.constant 0 : i32
    %dma_start3A_67 = tpu.memref_slice %arg4[%add3A_65, %dma_start3A_66] : memref<204800x128xf32, #tpu.memory_space<hbm>> -> memref<320x128xf32, #tpu.memory_space<hbm>>
    %dma_start3A_68 = arith.constant 0 : i32
    %dma_start3A_69 = tpu.memref_slice %arg4[%add3A_65, %dma_start3A_68] : memref<204800x128xf32, #tpu.memory_space<hbm>> -> memref<320x128xf32, #tpu.memory_space<hbm>>
    tpu.enqueue_dma source(%arg6 : memref<320x128xf32, #tpu.memory_space<vmem>>) target(%dma_start3A_69 : memref<320x128xf32, #tpu.memory_space<hbm>>) target_semaphore(%arg10 : memref<!tpu.dma_semaphore, #tpu.memory_space<semaphore_mem>>)
    %dma_wait3A_70 = arith.constant 960 : i32
    %dma_wait3A_71 = tpu.memref_slice %arg5[%dma_wait3A_70] : memref<1600xi32, #tpu.memory_space<vmem>> -> memref<320xi32, #tpu.memory_space<vmem>>
    %dma_wait3A_72 = arith.constant 0 : i32
    %dma_wait3A_73 = arith.constant 0 : i32
    %dma_wait3A_74 = tpu.memref_slice %arg2[%dma_wait3A_72, %dma_wait3A_73] : memref<100000x128xf32, #tpu.memory_space<hbm>> -> memref<100000x128xf32, #tpu.memory_space<hbm>>
    tpu.wait_indirect_dma semaphore(%arg9 : memref<!tpu.dma_semaphore, #tpu.memory_space<semaphore_mem>>) src(%dma_wait3A_74 : memref<100000x128xf32, #tpu.memory_space<hbm>>) dst(%arg7 : memref<320x128xf32, #tpu.memory_space<vmem>>)
    %add3A_75 = arith.constant 640 : i32
    %add3A_76 = arith.addi %add3A_6, %add3A_75 : i32
    %dma_wait3A_77 = arith.constant 0 : i32
    %dma_wait3A_78 = tpu.memref_slice %arg4[%add3A_76, %dma_wait3A_77] : memref<204800x128xf32, #tpu.memory_space<hbm>> -> memref<320x128xf32, #tpu.memory_space<hbm>>
    %dma_wait3A_79 = arith.constant 0 : i32
    %dma_wait3A_80 = tpu.memref_slice %arg4[%add3A_76, %dma_wait3A_79] : memref<204800x128xf32, #tpu.memory_space<hbm>> -> memref<320x128xf32, #tpu.memory_space<hbm>>
    tpu.wait_dma2 semaphore(%arg10 : memref<!tpu.dma_semaphore, #tpu.memory_space<semaphore_mem>>) src(%arg6 : memref<320x128xf32, #tpu.memory_space<vmem>>) dst(%dma_wait3A_80 : memref<320x128xf32, #tpu.memory_space<hbm>>)
    %dma_start3A_81 = arith.constant 1280 : i32
    %dma_start3A_82 = tpu.memref_slice %arg5[%dma_start3A_81] : memref<1600xi32, #tpu.memory_space<vmem>> -> memref<320xi32, #tpu.memory_space<vmem>>
    %dma_start3A_83 = arith.constant 0 : i32
    %dma_start3A_84 = arith.constant 0 : i32
    %dma_start3A_85 = tpu.memref_slice %arg2[%dma_start3A_83, %dma_start3A_84] : memref<100000x128xf32, #tpu.memory_space<hbm>> -> memref<100000x128xf32, #tpu.memory_space<hbm>>
    tpu.enqueue_indirect_dma source(%dma_start3A_85 : memref<100000x128xf32, #tpu.memory_space<hbm>>) target(%arg6 : memref<320x128xf32, #tpu.memory_space<vmem>>) offsets(%dma_start3A_82 : memref<320xi32, #tpu.memory_space<vmem>>) semaphore(%arg8 : memref<!tpu.dma_semaphore, #tpu.memory_space<semaphore_mem>>)
    %add3A_86 = arith.constant 960 : i32
    %add3A_87 = arith.addi %add3A_6, %add3A_86 : i32
    %dma_start3A_88 = arith.constant 0 : i32
    %dma_start3A_89 = tpu.memref_slice %arg4[%add3A_87, %dma_start3A_88] : memref<204800x128xf32, #tpu.memory_space<hbm>> -> memref<320x128xf32, #tpu.memory_space<hbm>>
    %dma_start3A_90 = arith.constant 0 : i32
    %dma_start3A_91 = tpu.memref_slice %arg4[%add3A_87, %dma_start3A_90] : memref<204800x128xf32, #tpu.memory_space<hbm>> -> memref<320x128xf32, #tpu.memory_space<hbm>>
    tpu.enqueue_dma source(%arg7 : memref<320x128xf32, #tpu.memory_space<vmem>>) target(%dma_start3A_91 : memref<320x128xf32, #tpu.memory_space<hbm>>) target_semaphore(%arg11 : memref<!tpu.dma_semaphore, #tpu.memory_space<semaphore_mem>>)
    %dma_wait3A_92 = arith.constant 1280 : i32
    %dma_wait3A_93 = tpu.memref_slice %arg5[%dma_wait3A_92] : memref<1600xi32, #tpu.memory_space<vmem>> -> memref<320xi32, #tpu.memory_space<vmem>>
    %dma_wait3A_94 = arith.constant 0 : i32
    %dma_wait3A_95 = arith.constant 0 : i32
    %dma_wait3A_96 = tpu.memref_slice %arg2[%dma_wait3A_94, %dma_wait3A_95] : memref<100000x128xf32, #tpu.memory_space<hbm>> -> memref<100000x128xf32, #tpu.memory_space<hbm>>
    tpu.wait_indirect_dma semaphore(%arg8 : memref<!tpu.dma_semaphore, #tpu.memory_space<semaphore_mem>>) src(%dma_wait3A_96 : memref<100000x128xf32, #tpu.memory_space<hbm>>) dst(%arg6 : memref<320x128xf32, #tpu.memory_space<vmem>>)
    %add3A_97 = arith.constant 1280 : i32
    %add3A_98 = arith.addi %add3A_6, %add3A_97 : i32
    %dma_start3A_99 = arith.constant 0 : i32
    %dma_start3A_100 = tpu.memref_slice %arg4[%add3A_98, %dma_start3A_99] : memref<204800x128xf32, #tpu.memory_space<hbm>> -> memref<320x128xf32, #tpu.memory_space<hbm>>
    %dma_start3A_101 = arith.constant 0 : i32
    %dma_start3A_102 = tpu.memref_slice %arg4[%add3A_98, %dma_start3A_101] : memref<204800x128xf32, #tpu.memory_space<hbm>> -> memref<320x128xf32, #tpu.memory_space<hbm>>
    tpu.enqueue_dma source(%arg6 : memref<320x128xf32, #tpu.memory_space<vmem>>) target(%dma_start3A_102 : memref<320x128xf32, #tpu.memory_space<hbm>>) target_semaphore(%arg10 : memref<!tpu.dma_semaphore, #tpu.memory_space<semaphore_mem>>)
    %add3A_103 = arith.constant 1280 : i32
    %add3A_104 = arith.addi %add3A_6, %add3A_103 : i32
    %dma_wait3A_105 = arith.constant 0 : i32
    %dma_wait3A_106 = tpu.memref_slice %arg4[%add3A_104, %dma_wait3A_105] : memref<204800x128xf32, #tpu.memory_space<hbm>> -> memref<320x128xf32, #tpu.memory_space<hbm>>
    %dma_wait3A_107 = arith.constant 0 : i32
    %dma_wait3A_108 = tpu.memref_slice %arg4[%add3A_104, %dma_wait3A_107] : memref<204800x128xf32, #tpu.memory_space<hbm>> -> memref<320x128xf32, #tpu.memory_space<hbm>>
    tpu.wait_dma2 semaphore(%arg10 : memref<!tpu.dma_semaphore, #tpu.memory_space<semaphore_mem>>) src(%arg6 : memref<320x128xf32, #tpu.memory_space<vmem>>) dst(%dma_wait3A_108 : memref<320x128xf32, #tpu.memory_space<hbm>>)
    %add3A_109 = arith.constant 960 : i32
    %add3A_110 = arith.addi %add3A_6, %add3A_109 : i32
    %dma_wait3A_111 = arith.constant 0 : i32
    %dma_wait3A_112 = tpu.memref_slice %arg4[%add3A_110, %dma_wait3A_111] : memref<204800x128xf32, #tpu.memory_space<hbm>> -> memref<320x128xf32, #tpu.memory_space<hbm>>
    %dma_wait3A_113 = arith.constant 0 : i32
    %dma_wait3A_114 = tpu.memref_slice %arg4[%add3A_110, %dma_wait3A_113] : memref<204800x128xf32, #tpu.memory_space<hbm>> -> memref<320x128xf32, #tpu.memory_space<hbm>>
    tpu.wait_dma2 semaphore(%arg11 : memref<!tpu.dma_semaphore, #tpu.memory_space<semaphore_mem>>) src(%arg7 : memref<320x128xf32, #tpu.memory_space<vmem>>) dst(%dma_wait3A_114 : memref<320x128xf32, #tpu.memory_space<hbm>>)
    return
  }
}

#map = affine_map<(d0, d1) -> (0, 0)>
#map1 = affine_map<(d0, d1) -> (0)>
module attributes {stable_mosaic.version = 14 : i64} {
  func.func @sc_gather_8(%arg0: i32, %arg1: i32, %arg2: memref<100000x128xf32, #tpu.memory_space<hbm>>, %arg3: memref<204800xi32, #tpu.memory_space<hbm>>, %arg4: memref<204800x128xf32, #tpu.memory_space<hbm>>, %arg5: memref<1920xi32, #tpu.memory_space<vmem>>, %arg6: memref<320x128xf32, #tpu.memory_space<vmem>>, %arg7: memref<320x128xf32, #tpu.memory_space<vmem>>, %arg8: memref<!tpu.dma_semaphore, #tpu.memory_space<semaphore_mem>>, %arg9: memref<!tpu.dma_semaphore, #tpu.memory_space<semaphore_mem>>, %arg10: memref<!tpu.dma_semaphore, #tpu.memory_space<semaphore_mem>>, %arg11: memref<!tpu.dma_semaphore, #tpu.memory_space<semaphore_mem>>) attributes {dimension_semantics = [#tpu.dimension_semantics<core_parallel>, #tpu.dimension_semantics<subcore_parallel>], iteration_bounds = array<i64: 2, 16>, scalar_prefetch = 0 : i64, scratch_operands = 7 : i64, tpu.core_type = #tpu.core_type<sc_vector_subcore>, window_params = [{transform_indices = #map}, {transform_indices = #map1}, {transform_indices = #map}]} {
    %mul3A = arith.constant 2 : i32
    %mul3A_0 = arith.muli %arg1, %mul3A : i32
    %add3A = arith.addi %mul3A_0, %arg0 : i32
    %mul3A_1 = arith.constant 6 : i32
    %mul3A_2 = arith.muli %add3A, %mul3A_1 : i32
    %mul3A_3 = arith.constant 320 : i32
    %mul3A_4 = arith.muli %mul3A_2, %mul3A_3 : i32
    %add3A_5 = arith.constant 81920 : i32
    %add3A_6 = arith.addi %add3A_5, %mul3A_4 : i32
    "tpu.region"() ({
      %run_scoped3A = tpu.sem_alloc : memref<!tpu.dma_semaphore, #tpu.memory_space<semaphore_mem>>
      %dma_start3A_137 = tpu.memref_slice %arg3[%add3A_6] : memref<204800xi32, #tpu.memory_space<hbm>> -> memref<1920xi32, #tpu.memory_space<hbm>>
      %dma_start3A_138 = tpu.memref_slice %arg3[%add3A_6] : memref<204800xi32, #tpu.memory_space<hbm>> -> memref<1920xi32, #tpu.memory_space<hbm>>
      tpu.enqueue_dma source(%dma_start3A_138 : memref<1920xi32, #tpu.memory_space<hbm>>) target(%arg5 : memref<1920xi32, #tpu.memory_space<vmem>>) target_semaphore(%run_scoped3A : memref<!tpu.dma_semaphore, #tpu.memory_space<semaphore_mem>>)
      %dma_wait3A_139 = tpu.memref_slice %arg3[%add3A_6] : memref<204800xi32, #tpu.memory_space<hbm>> -> memref<1920xi32, #tpu.memory_space<hbm>>
      %dma_wait3A_140 = tpu.memref_slice %arg3[%add3A_6] : memref<204800xi32, #tpu.memory_space<hbm>> -> memref<1920xi32, #tpu.memory_space<hbm>>
      tpu.wait_dma2 semaphore(%run_scoped3A : memref<!tpu.dma_semaphore, #tpu.memory_space<semaphore_mem>>) src(%dma_wait3A_140 : memref<1920xi32, #tpu.memory_space<hbm>>) dst(%arg5 : memref<1920xi32, #tpu.memory_space<vmem>>)
      tpu.yield
    }) : () -> ()
    %dma_start3A = arith.constant 0 : i32
    %dma_start3A_7 = tpu.memref_slice %arg5[%dma_start3A] : memref<1920xi32, #tpu.memory_space<vmem>> -> memref<320xi32, #tpu.memory_space<vmem>>
    %dma_start3A_8 = arith.constant 0 : i32
    %dma_start3A_9 = arith.constant 0 : i32
    %dma_start3A_10 = tpu.memref_slice %arg2[%dma_start3A_8, %dma_start3A_9] : memref<100000x128xf32, #tpu.memory_space<hbm>> -> memref<100000x128xf32, #tpu.memory_space<hbm>>
    tpu.enqueue_indirect_dma source(%dma_start3A_10 : memref<100000x128xf32, #tpu.memory_space<hbm>>) target(%arg6 : memref<320x128xf32, #tpu.memory_space<vmem>>) offsets(%dma_start3A_7 : memref<320xi32, #tpu.memory_space<vmem>>) semaphore(%arg8 : memref<!tpu.dma_semaphore, #tpu.memory_space<semaphore_mem>>)
    %dma_wait3A = arith.constant 0 : i32
    %dma_wait3A_11 = tpu.memref_slice %arg5[%dma_wait3A] : memref<1920xi32, #tpu.memory_space<vmem>> -> memref<320xi32, #tpu.memory_space<vmem>>
    %dma_wait3A_12 = arith.constant 0 : i32
    %dma_wait3A_13 = arith.constant 0 : i32
    %dma_wait3A_14 = tpu.memref_slice %arg2[%dma_wait3A_12, %dma_wait3A_13] : memref<100000x128xf32, #tpu.memory_space<hbm>> -> memref<100000x128xf32, #tpu.memory_space<hbm>>
    tpu.wait_indirect_dma semaphore(%arg8 : memref<!tpu.dma_semaphore, #tpu.memory_space<semaphore_mem>>) src(%dma_wait3A_14 : memref<100000x128xf32, #tpu.memory_space<hbm>>) dst(%arg6 : memref<320x128xf32, #tpu.memory_space<vmem>>)
    %dma_start3A_15 = arith.constant 320 : i32
    %dma_start3A_16 = tpu.memref_slice %arg5[%dma_start3A_15] : memref<1920xi32, #tpu.memory_space<vmem>> -> memref<320xi32, #tpu.memory_space<vmem>>
    %dma_start3A_17 = arith.constant 0 : i32
    %dma_start3A_18 = arith.constant 0 : i32
    %dma_start3A_19 = tpu.memref_slice %arg2[%dma_start3A_17, %dma_start3A_18] : memref<100000x128xf32, #tpu.memory_space<hbm>> -> memref<100000x128xf32, #tpu.memory_space<hbm>>
    tpu.enqueue_indirect_dma source(%dma_start3A_19 : memref<100000x128xf32, #tpu.memory_space<hbm>>) target(%arg7 : memref<320x128xf32, #tpu.memory_space<vmem>>) offsets(%dma_start3A_16 : memref<320xi32, #tpu.memory_space<vmem>>) semaphore(%arg9 : memref<!tpu.dma_semaphore, #tpu.memory_space<semaphore_mem>>)
    %add3A_20 = arith.constant 0 : i32
    %add3A_21 = arith.addi %add3A_6, %add3A_20 : i32
    %dma_start3A_22 = arith.constant 0 : i32
    %dma_start3A_23 = tpu.memref_slice %arg4[%add3A_21, %dma_start3A_22] : memref<204800x128xf32, #tpu.memory_space<hbm>> -> memref<320x128xf32, #tpu.memory_space<hbm>>
    %dma_start3A_24 = arith.constant 0 : i32
    %dma_start3A_25 = tpu.memref_slice %arg4[%add3A_21, %dma_start3A_24] : memref<204800x128xf32, #tpu.memory_space<hbm>> -> memref<320x128xf32, #tpu.memory_space<hbm>>
    tpu.enqueue_dma source(%arg6 : memref<320x128xf32, #tpu.memory_space<vmem>>) target(%dma_start3A_25 : memref<320x128xf32, #tpu.memory_space<hbm>>) target_semaphore(%arg10 : memref<!tpu.dma_semaphore, #tpu.memory_space<semaphore_mem>>)
    %dma_wait3A_26 = arith.constant 320 : i32
    %dma_wait3A_27 = tpu.memref_slice %arg5[%dma_wait3A_26] : memref<1920xi32, #tpu.memory_space<vmem>> -> memref<320xi32, #tpu.memory_space<vmem>>
    %dma_wait3A_28 = arith.constant 0 : i32
    %dma_wait3A_29 = arith.constant 0 : i32
    %dma_wait3A_30 = tpu.memref_slice %arg2[%dma_wait3A_28, %dma_wait3A_29] : memref<100000x128xf32, #tpu.memory_space<hbm>> -> memref<100000x128xf32, #tpu.memory_space<hbm>>
    tpu.wait_indirect_dma semaphore(%arg9 : memref<!tpu.dma_semaphore, #tpu.memory_space<semaphore_mem>>) src(%dma_wait3A_30 : memref<100000x128xf32, #tpu.memory_space<hbm>>) dst(%arg7 : memref<320x128xf32, #tpu.memory_space<vmem>>)
    %add3A_31 = arith.constant 0 : i32
    %add3A_32 = arith.addi %add3A_6, %add3A_31 : i32
    %dma_wait3A_33 = arith.constant 0 : i32
    %dma_wait3A_34 = tpu.memref_slice %arg4[%add3A_32, %dma_wait3A_33] : memref<204800x128xf32, #tpu.memory_space<hbm>> -> memref<320x128xf32, #tpu.memory_space<hbm>>
    %dma_wait3A_35 = arith.constant 0 : i32
    %dma_wait3A_36 = tpu.memref_slice %arg4[%add3A_32, %dma_wait3A_35] : memref<204800x128xf32, #tpu.memory_space<hbm>> -> memref<320x128xf32, #tpu.memory_space<hbm>>
    tpu.wait_dma2 semaphore(%arg10 : memref<!tpu.dma_semaphore, #tpu.memory_space<semaphore_mem>>) src(%arg6 : memref<320x128xf32, #tpu.memory_space<vmem>>) dst(%dma_wait3A_36 : memref<320x128xf32, #tpu.memory_space<hbm>>)
    %dma_start3A_37 = arith.constant 640 : i32
    %dma_start3A_38 = tpu.memref_slice %arg5[%dma_start3A_37] : memref<1920xi32, #tpu.memory_space<vmem>> -> memref<320xi32, #tpu.memory_space<vmem>>
    %dma_start3A_39 = arith.constant 0 : i32
    %dma_start3A_40 = arith.constant 0 : i32
    %dma_start3A_41 = tpu.memref_slice %arg2[%dma_start3A_39, %dma_start3A_40] : memref<100000x128xf32, #tpu.memory_space<hbm>> -> memref<100000x128xf32, #tpu.memory_space<hbm>>
    tpu.enqueue_indirect_dma source(%dma_start3A_41 : memref<100000x128xf32, #tpu.memory_space<hbm>>) target(%arg6 : memref<320x128xf32, #tpu.memory_space<vmem>>) offsets(%dma_start3A_38 : memref<320xi32, #tpu.memory_space<vmem>>) semaphore(%arg8 : memref<!tpu.dma_semaphore, #tpu.memory_space<semaphore_mem>>)
    %add3A_42 = arith.constant 320 : i32
    %add3A_43 = arith.addi %add3A_6, %add3A_42 : i32
    %dma_start3A_44 = arith.constant 0 : i32
    %dma_start3A_45 = tpu.memref_slice %arg4[%add3A_43, %dma_start3A_44] : memref<204800x128xf32, #tpu.memory_space<hbm>> -> memref<320x128xf32, #tpu.memory_space<hbm>>
    %dma_start3A_46 = arith.constant 0 : i32
    %dma_start3A_47 = tpu.memref_slice %arg4[%add3A_43, %dma_start3A_46] : memref<204800x128xf32, #tpu.memory_space<hbm>> -> memref<320x128xf32, #tpu.memory_space<hbm>>
    tpu.enqueue_dma source(%arg7 : memref<320x128xf32, #tpu.memory_space<vmem>>) target(%dma_start3A_47 : memref<320x128xf32, #tpu.memory_space<hbm>>) target_semaphore(%arg11 : memref<!tpu.dma_semaphore, #tpu.memory_space<semaphore_mem>>)
    %dma_wait3A_48 = arith.constant 640 : i32
    %dma_wait3A_49 = tpu.memref_slice %arg5[%dma_wait3A_48] : memref<1920xi32, #tpu.memory_space<vmem>> -> memref<320xi32, #tpu.memory_space<vmem>>
    %dma_wait3A_50 = arith.constant 0 : i32
    %dma_wait3A_51 = arith.constant 0 : i32
    %dma_wait3A_52 = tpu.memref_slice %arg2[%dma_wait3A_50, %dma_wait3A_51] : memref<100000x128xf32, #tpu.memory_space<hbm>> -> memref<100000x128xf32, #tpu.memory_space<hbm>>
    tpu.wait_indirect_dma semaphore(%arg8 : memref<!tpu.dma_semaphore, #tpu.memory_space<semaphore_mem>>) src(%dma_wait3A_52 : memref<100000x128xf32, #tpu.memory_space<hbm>>) dst(%arg6 : memref<320x128xf32, #tpu.memory_space<vmem>>)
    %add3A_53 = arith.constant 320 : i32
    %add3A_54 = arith.addi %add3A_6, %add3A_53 : i32
    %dma_wait3A_55 = arith.constant 0 : i32
    %dma_wait3A_56 = tpu.memref_slice %arg4[%add3A_54, %dma_wait3A_55] : memref<204800x128xf32, #tpu.memory_space<hbm>> -> memref<320x128xf32, #tpu.memory_space<hbm>>
    %dma_wait3A_57 = arith.constant 0 : i32
    %dma_wait3A_58 = tpu.memref_slice %arg4[%add3A_54, %dma_wait3A_57] : memref<204800x128xf32, #tpu.memory_space<hbm>> -> memref<320x128xf32, #tpu.memory_space<hbm>>
    tpu.wait_dma2 semaphore(%arg11 : memref<!tpu.dma_semaphore, #tpu.memory_space<semaphore_mem>>) src(%arg7 : memref<320x128xf32, #tpu.memory_space<vmem>>) dst(%dma_wait3A_58 : memref<320x128xf32, #tpu.memory_space<hbm>>)
    %dma_start3A_59 = arith.constant 960 : i32
    %dma_start3A_60 = tpu.memref_slice %arg5[%dma_start3A_59] : memref<1920xi32, #tpu.memory_space<vmem>> -> memref<320xi32, #tpu.memory_space<vmem>>
    %dma_start3A_61 = arith.constant 0 : i32
    %dma_start3A_62 = arith.constant 0 : i32
    %dma_start3A_63 = tpu.memref_slice %arg2[%dma_start3A_61, %dma_start3A_62] : memref<100000x128xf32, #tpu.memory_space<hbm>> -> memref<100000x128xf32, #tpu.memory_space<hbm>>
    tpu.enqueue_indirect_dma source(%dma_start3A_63 : memref<100000x128xf32, #tpu.memory_space<hbm>>) target(%arg7 : memref<320x128xf32, #tpu.memory_space<vmem>>) offsets(%dma_start3A_60 : memref<320xi32, #tpu.memory_space<vmem>>) semaphore(%arg9 : memref<!tpu.dma_semaphore, #tpu.memory_space<semaphore_mem>>)
    %add3A_64 = arith.constant 640 : i32
    %add3A_65 = arith.addi %add3A_6, %add3A_64 : i32
    %dma_start3A_66 = arith.constant 0 : i32
    %dma_start3A_67 = tpu.memref_slice %arg4[%add3A_65, %dma_start3A_66] : memref<204800x128xf32, #tpu.memory_space<hbm>> -> memref<320x128xf32, #tpu.memory_space<hbm>>
    %dma_start3A_68 = arith.constant 0 : i32
    %dma_start3A_69 = tpu.memref_slice %arg4[%add3A_65, %dma_start3A_68] : memref<204800x128xf32, #tpu.memory_space<hbm>> -> memref<320x128xf32, #tpu.memory_space<hbm>>
    tpu.enqueue_dma source(%arg6 : memref<320x128xf32, #tpu.memory_space<vmem>>) target(%dma_start3A_69 : memref<320x128xf32, #tpu.memory_space<hbm>>) target_semaphore(%arg10 : memref<!tpu.dma_semaphore, #tpu.memory_space<semaphore_mem>>)
    %dma_wait3A_70 = arith.constant 960 : i32
    %dma_wait3A_71 = tpu.memref_slice %arg5[%dma_wait3A_70] : memref<1920xi32, #tpu.memory_space<vmem>> -> memref<320xi32, #tpu.memory_space<vmem>>
    %dma_wait3A_72 = arith.constant 0 : i32
    %dma_wait3A_73 = arith.constant 0 : i32
    %dma_wait3A_74 = tpu.memref_slice %arg2[%dma_wait3A_72, %dma_wait3A_73] : memref<100000x128xf32, #tpu.memory_space<hbm>> -> memref<100000x128xf32, #tpu.memory_space<hbm>>
    tpu.wait_indirect_dma semaphore(%arg9 : memref<!tpu.dma_semaphore, #tpu.memory_space<semaphore_mem>>) src(%dma_wait3A_74 : memref<100000x128xf32, #tpu.memory_space<hbm>>) dst(%arg7 : memref<320x128xf32, #tpu.memory_space<vmem>>)
    %add3A_75 = arith.constant 640 : i32
    %add3A_76 = arith.addi %add3A_6, %add3A_75 : i32
    %dma_wait3A_77 = arith.constant 0 : i32
    %dma_wait3A_78 = tpu.memref_slice %arg4[%add3A_76, %dma_wait3A_77] : memref<204800x128xf32, #tpu.memory_space<hbm>> -> memref<320x128xf32, #tpu.memory_space<hbm>>
    %dma_wait3A_79 = arith.constant 0 : i32
    %dma_wait3A_80 = tpu.memref_slice %arg4[%add3A_76, %dma_wait3A_79] : memref<204800x128xf32, #tpu.memory_space<hbm>> -> memref<320x128xf32, #tpu.memory_space<hbm>>
    tpu.wait_dma2 semaphore(%arg10 : memref<!tpu.dma_semaphore, #tpu.memory_space<semaphore_mem>>) src(%arg6 : memref<320x128xf32, #tpu.memory_space<vmem>>) dst(%dma_wait3A_80 : memref<320x128xf32, #tpu.memory_space<hbm>>)
    %dma_start3A_81 = arith.constant 1280 : i32
    %dma_start3A_82 = tpu.memref_slice %arg5[%dma_start3A_81] : memref<1920xi32, #tpu.memory_space<vmem>> -> memref<320xi32, #tpu.memory_space<vmem>>
    %dma_start3A_83 = arith.constant 0 : i32
    %dma_start3A_84 = arith.constant 0 : i32
    %dma_start3A_85 = tpu.memref_slice %arg2[%dma_start3A_83, %dma_start3A_84] : memref<100000x128xf32, #tpu.memory_space<hbm>> -> memref<100000x128xf32, #tpu.memory_space<hbm>>
    tpu.enqueue_indirect_dma source(%dma_start3A_85 : memref<100000x128xf32, #tpu.memory_space<hbm>>) target(%arg6 : memref<320x128xf32, #tpu.memory_space<vmem>>) offsets(%dma_start3A_82 : memref<320xi32, #tpu.memory_space<vmem>>) semaphore(%arg8 : memref<!tpu.dma_semaphore, #tpu.memory_space<semaphore_mem>>)
    %add3A_86 = arith.constant 960 : i32
    %add3A_87 = arith.addi %add3A_6, %add3A_86 : i32
    %dma_start3A_88 = arith.constant 0 : i32
    %dma_start3A_89 = tpu.memref_slice %arg4[%add3A_87, %dma_start3A_88] : memref<204800x128xf32, #tpu.memory_space<hbm>> -> memref<320x128xf32, #tpu.memory_space<hbm>>
    %dma_start3A_90 = arith.constant 0 : i32
    %dma_start3A_91 = tpu.memref_slice %arg4[%add3A_87, %dma_start3A_90] : memref<204800x128xf32, #tpu.memory_space<hbm>> -> memref<320x128xf32, #tpu.memory_space<hbm>>
    tpu.enqueue_dma source(%arg7 : memref<320x128xf32, #tpu.memory_space<vmem>>) target(%dma_start3A_91 : memref<320x128xf32, #tpu.memory_space<hbm>>) target_semaphore(%arg11 : memref<!tpu.dma_semaphore, #tpu.memory_space<semaphore_mem>>)
    %dma_wait3A_92 = arith.constant 1280 : i32
    %dma_wait3A_93 = tpu.memref_slice %arg5[%dma_wait3A_92] : memref<1920xi32, #tpu.memory_space<vmem>> -> memref<320xi32, #tpu.memory_space<vmem>>
    %dma_wait3A_94 = arith.constant 0 : i32
    %dma_wait3A_95 = arith.constant 0 : i32
    %dma_wait3A_96 = tpu.memref_slice %arg2[%dma_wait3A_94, %dma_wait3A_95] : memref<100000x128xf32, #tpu.memory_space<hbm>> -> memref<100000x128xf32, #tpu.memory_space<hbm>>
    tpu.wait_indirect_dma semaphore(%arg8 : memref<!tpu.dma_semaphore, #tpu.memory_space<semaphore_mem>>) src(%dma_wait3A_96 : memref<100000x128xf32, #tpu.memory_space<hbm>>) dst(%arg6 : memref<320x128xf32, #tpu.memory_space<vmem>>)
    %add3A_97 = arith.constant 960 : i32
    %add3A_98 = arith.addi %add3A_6, %add3A_97 : i32
    %dma_wait3A_99 = arith.constant 0 : i32
    %dma_wait3A_100 = tpu.memref_slice %arg4[%add3A_98, %dma_wait3A_99] : memref<204800x128xf32, #tpu.memory_space<hbm>> -> memref<320x128xf32, #tpu.memory_space<hbm>>
    %dma_wait3A_101 = arith.constant 0 : i32
    %dma_wait3A_102 = tpu.memref_slice %arg4[%add3A_98, %dma_wait3A_101] : memref<204800x128xf32, #tpu.memory_space<hbm>> -> memref<320x128xf32, #tpu.memory_space<hbm>>
    tpu.wait_dma2 semaphore(%arg11 : memref<!tpu.dma_semaphore, #tpu.memory_space<semaphore_mem>>) src(%arg7 : memref<320x128xf32, #tpu.memory_space<vmem>>) dst(%dma_wait3A_102 : memref<320x128xf32, #tpu.memory_space<hbm>>)
    %dma_start3A_103 = arith.constant 1600 : i32
    %dma_start3A_104 = tpu.memref_slice %arg5[%dma_start3A_103] : memref<1920xi32, #tpu.memory_space<vmem>> -> memref<320xi32, #tpu.memory_space<vmem>>
    %dma_start3A_105 = arith.constant 0 : i32
    %dma_start3A_106 = arith.constant 0 : i32
    %dma_start3A_107 = tpu.memref_slice %arg2[%dma_start3A_105, %dma_start3A_106] : memref<100000x128xf32, #tpu.memory_space<hbm>> -> memref<100000x128xf32, #tpu.memory_space<hbm>>
    tpu.enqueue_indirect_dma source(%dma_start3A_107 : memref<100000x128xf32, #tpu.memory_space<hbm>>) target(%arg7 : memref<320x128xf32, #tpu.memory_space<vmem>>) offsets(%dma_start3A_104 : memref<320xi32, #tpu.memory_space<vmem>>) semaphore(%arg9 : memref<!tpu.dma_semaphore, #tpu.memory_space<semaphore_mem>>)
    %add3A_108 = arith.constant 1280 : i32
    %add3A_109 = arith.addi %add3A_6, %add3A_108 : i32
    %dma_start3A_110 = arith.constant 0 : i32
    %dma_start3A_111 = tpu.memref_slice %arg4[%add3A_109, %dma_start3A_110] : memref<204800x128xf32, #tpu.memory_space<hbm>> -> memref<320x128xf32, #tpu.memory_space<hbm>>
    %dma_start3A_112 = arith.constant 0 : i32
    %dma_start3A_113 = tpu.memref_slice %arg4[%add3A_109, %dma_start3A_112] : memref<204800x128xf32, #tpu.memory_space<hbm>> -> memref<320x128xf32, #tpu.memory_space<hbm>>
    tpu.enqueue_dma source(%arg6 : memref<320x128xf32, #tpu.memory_space<vmem>>) target(%dma_start3A_113 : memref<320x128xf32, #tpu.memory_space<hbm>>) target_semaphore(%arg10 : memref<!tpu.dma_semaphore, #tpu.memory_space<semaphore_mem>>)
    %dma_wait3A_114 = arith.constant 1600 : i32
    %dma_wait3A_115 = tpu.memref_slice %arg5[%dma_wait3A_114] : memref<1920xi32, #tpu.memory_space<vmem>> -> memref<320xi32, #tpu.memory_space<vmem>>
    %dma_wait3A_116 = arith.constant 0 : i32
    %dma_wait3A_117 = arith.constant 0 : i32
    %dma_wait3A_118 = tpu.memref_slice %arg2[%dma_wait3A_116, %dma_wait3A_117] : memref<100000x128xf32, #tpu.memory_space<hbm>> -> memref<100000x128xf32, #tpu.memory_space<hbm>>
    tpu.wait_indirect_dma semaphore(%arg9 : memref<!tpu.dma_semaphore, #tpu.memory_space<semaphore_mem>>) src(%dma_wait3A_118 : memref<100000x128xf32, #tpu.memory_space<hbm>>) dst(%arg7 : memref<320x128xf32, #tpu.memory_space<vmem>>)
    %add3A_119 = arith.constant 1600 : i32
    %add3A_120 = arith.addi %add3A_6, %add3A_119 : i32
    %dma_start3A_121 = arith.constant 0 : i32
    %dma_start3A_122 = tpu.memref_slice %arg4[%add3A_120, %dma_start3A_121] : memref<204800x128xf32, #tpu.memory_space<hbm>> -> memref<320x128xf32, #tpu.memory_space<hbm>>
    %dma_start3A_123 = arith.constant 0 : i32
    %dma_start3A_124 = tpu.memref_slice %arg4[%add3A_120, %dma_start3A_123] : memref<204800x128xf32, #tpu.memory_space<hbm>> -> memref<320x128xf32, #tpu.memory_space<hbm>>
    tpu.enqueue_dma source(%arg7 : memref<320x128xf32, #tpu.memory_space<vmem>>) target(%dma_start3A_124 : memref<320x128xf32, #tpu.memory_space<hbm>>) target_semaphore(%arg11 : memref<!tpu.dma_semaphore, #tpu.memory_space<semaphore_mem>>)
    %add3A_125 = arith.constant 1280 : i32
    %add3A_126 = arith.addi %add3A_6, %add3A_125 : i32
    %dma_wait3A_127 = arith.constant 0 : i32
    %dma_wait3A_128 = tpu.memref_slice %arg4[%add3A_126, %dma_wait3A_127] : memref<204800x128xf32, #tpu.memory_space<hbm>> -> memref<320x128xf32, #tpu.memory_space<hbm>>
    %dma_wait3A_129 = arith.constant 0 : i32
    %dma_wait3A_130 = tpu.memref_slice %arg4[%add3A_126, %dma_wait3A_129] : memref<204800x128xf32, #tpu.memory_space<hbm>> -> memref<320x128xf32, #tpu.memory_space<hbm>>
    tpu.wait_dma2 semaphore(%arg10 : memref<!tpu.dma_semaphore, #tpu.memory_space<semaphore_mem>>) src(%arg6 : memref<320x128xf32, #tpu.memory_space<vmem>>) dst(%dma_wait3A_130 : memref<320x128xf32, #tpu.memory_space<hbm>>)
    %add3A_131 = arith.constant 1600 : i32
    %add3A_132 = arith.addi %add3A_6, %add3A_131 : i32
    %dma_wait3A_133 = arith.constant 0 : i32
    %dma_wait3A_134 = tpu.memref_slice %arg4[%add3A_132, %dma_wait3A_133] : memref<204800x128xf32, #tpu.memory_space<hbm>> -> memref<320x128xf32, #tpu.memory_space<hbm>>
    %dma_wait3A_135 = arith.constant 0 : i32
    %dma_wait3A_136 = tpu.memref_slice %arg4[%add3A_132, %dma_wait3A_135] : memref<204800x128xf32, #tpu.memory_space<hbm>> -> memref<320x128xf32, #tpu.memory_space<hbm>>
    tpu.wait_dma2 semaphore(%arg11 : memref<!tpu.dma_semaphore, #tpu.memory_space<semaphore_mem>>) src(%arg7 : memref<320x128xf32, #tpu.memory_space<vmem>>) dst(%dma_wait3A_136 : memref<320x128xf32, #tpu.memory_space<hbm>>)
    return
  }
}

#map = affine_map<(d0, d1) -> (0, 0)>
#map1 = affine_map<(d0, d1) -> (0)>
module attributes {stable_mosaic.version = 14 : i64} {
  func.func @sc_gather_0(%arg0: i32, %arg1: i32, %arg2: memref<100000x128xf32, #tpu.memory_space<hbm>>, %arg3: memref<204800xi32, #tpu.memory_space<hbm>>, %arg4: memref<204800x128xf32, #tpu.memory_space<hbm>>, %arg5: memref<320xi32, #tpu.memory_space<vmem>>, %arg6: memref<320x128xf32, #tpu.memory_space<vmem>>, %arg7: memref<320x128xf32, #tpu.memory_space<vmem>>, %arg8: memref<!tpu.dma_semaphore, #tpu.memory_space<semaphore_mem>>, %arg9: memref<!tpu.dma_semaphore, #tpu.memory_space<semaphore_mem>>, %arg10: memref<!tpu.dma_semaphore, #tpu.memory_space<semaphore_mem>>, %arg11: memref<!tpu.dma_semaphore, #tpu.memory_space<semaphore_mem>>) attributes {dimension_semantics = [#tpu.dimension_semantics<core_parallel>, #tpu.dimension_semantics<subcore_parallel>], iteration_bounds = array<i64: 2, 16>, scalar_prefetch = 0 : i64, scratch_operands = 7 : i64, tpu.core_type = #tpu.core_type<sc_vector_subcore>, window_params = [{transform_indices = #map}, {transform_indices = #map1}, {transform_indices = #map}]} {
    %mul3A = arith.constant 2 : i32
    %mul3A_0 = arith.muli %arg1, %mul3A : i32
    %add3A = arith.addi %mul3A_0, %arg0 : i32
    %mul3A_1 = arith.constant 1 : i32
    %mul3A_2 = arith.muli %add3A, %mul3A_1 : i32
    %mul3A_3 = arith.constant 320 : i32
    %mul3A_4 = arith.muli %mul3A_2, %mul3A_3 : i32
    %add3A_5 = arith.constant 0 : i32
    %add3A_6 = arith.addi %add3A_5, %mul3A_4 : i32
    "tpu.region"() ({
      %run_scoped3A = tpu.sem_alloc : memref<!tpu.dma_semaphore, #tpu.memory_space<semaphore_mem>>
      %dma_start3A_27 = tpu.memref_slice %arg3[%add3A_6] : memref<204800xi32, #tpu.memory_space<hbm>> -> memref<320xi32, #tpu.memory_space<hbm>>
      %dma_start3A_28 = tpu.memref_slice %arg3[%add3A_6] : memref<204800xi32, #tpu.memory_space<hbm>> -> memref<320xi32, #tpu.memory_space<hbm>>
      tpu.enqueue_dma source(%dma_start3A_28 : memref<320xi32, #tpu.memory_space<hbm>>) target(%arg5 : memref<320xi32, #tpu.memory_space<vmem>>) target_semaphore(%run_scoped3A : memref<!tpu.dma_semaphore, #tpu.memory_space<semaphore_mem>>)
      %dma_wait3A_29 = tpu.memref_slice %arg3[%add3A_6] : memref<204800xi32, #tpu.memory_space<hbm>> -> memref<320xi32, #tpu.memory_space<hbm>>
      %dma_wait3A_30 = tpu.memref_slice %arg3[%add3A_6] : memref<204800xi32, #tpu.memory_space<hbm>> -> memref<320xi32, #tpu.memory_space<hbm>>
      tpu.wait_dma2 semaphore(%run_scoped3A : memref<!tpu.dma_semaphore, #tpu.memory_space<semaphore_mem>>) src(%dma_wait3A_30 : memref<320xi32, #tpu.memory_space<hbm>>) dst(%arg5 : memref<320xi32, #tpu.memory_space<vmem>>)
      tpu.yield
    }) : () -> ()
    %dma_start3A = arith.constant 0 : i32
    %dma_start3A_7 = tpu.memref_slice %arg5[%dma_start3A] : memref<320xi32, #tpu.memory_space<vmem>> -> memref<320xi32, #tpu.memory_space<vmem>>
    %dma_start3A_8 = arith.constant 0 : i32
    %dma_start3A_9 = arith.constant 0 : i32
    %dma_start3A_10 = tpu.memref_slice %arg2[%dma_start3A_8, %dma_start3A_9] : memref<100000x128xf32, #tpu.memory_space<hbm>> -> memref<100000x128xf32, #tpu.memory_space<hbm>>
    tpu.enqueue_indirect_dma source(%dma_start3A_10 : memref<100000x128xf32, #tpu.memory_space<hbm>>) target(%arg6 : memref<320x128xf32, #tpu.memory_space<vmem>>) offsets(%dma_start3A_7 : memref<320xi32, #tpu.memory_space<vmem>>) semaphore(%arg8 : memref<!tpu.dma_semaphore, #tpu.memory_space<semaphore_mem>>)
    %dma_wait3A = arith.constant 0 : i32
    %dma_wait3A_11 = tpu.memref_slice %arg5[%dma_wait3A] : memref<320xi32, #tpu.memory_space<vmem>> -> memref<320xi32, #tpu.memory_space<vmem>>
    %dma_wait3A_12 = arith.constant 0 : i32
    %dma_wait3A_13 = arith.constant 0 : i32
    %dma_wait3A_14 = tpu.memref_slice %arg2[%dma_wait3A_12, %dma_wait3A_13] : memref<100000x128xf32, #tpu.memory_space<hbm>> -> memref<100000x128xf32, #tpu.memory_space<hbm>>
    tpu.wait_indirect_dma semaphore(%arg8 : memref<!tpu.dma_semaphore, #tpu.memory_space<semaphore_mem>>) src(%dma_wait3A_14 : memref<100000x128xf32, #tpu.memory_space<hbm>>) dst(%arg6 : memref<320x128xf32, #tpu.memory_space<vmem>>)
    %add3A_15 = arith.constant 0 : i32
    %add3A_16 = arith.addi %add3A_6, %add3A_15 : i32
    %dma_start3A_17 = arith.constant 0 : i32
    %dma_start3A_18 = tpu.memref_slice %arg4[%add3A_16, %dma_start3A_17] : memref<204800x128xf32, #tpu.memory_space<hbm>> -> memref<320x128xf32, #tpu.memory_space<hbm>>
    %dma_start3A_19 = arith.constant 0 : i32
    %dma_start3A_20 = tpu.memref_slice %arg4[%add3A_16, %dma_start3A_19] : memref<204800x128xf32, #tpu.memory_space<hbm>> -> memref<320x128xf32, #tpu.memory_space<hbm>>
    tpu.enqueue_dma source(%arg6 : memref<320x128xf32, #tpu.memory_space<vmem>>) target(%dma_start3A_20 : memref<320x128xf32, #tpu.memory_space<hbm>>) target_semaphore(%arg10 : memref<!tpu.dma_semaphore, #tpu.memory_space<semaphore_mem>>)
    %add3A_21 = arith.constant 0 : i32
    %add3A_22 = arith.addi %add3A_6, %add3A_21 : i32
    %dma_wait3A_23 = arith.constant 0 : i32
    %dma_wait3A_24 = tpu.memref_slice %arg4[%add3A_22, %dma_wait3A_23] : memref<204800x128xf32, #tpu.memory_space<hbm>> -> memref<320x128xf32, #tpu.memory_space<hbm>>
    %dma_wait3A_25 = arith.constant 0 : i32
    %dma_wait3A_26 = tpu.memref_slice %arg4[%add3A_22, %dma_wait3A_25] : memref<204800x128xf32, #tpu.memory_space<hbm>> -> memref<320x128xf32, #tpu.memory_space<hbm>>
    tpu.wait_dma2 semaphore(%arg10 : memref<!tpu.dma_semaphore, #tpu.memory_space<semaphore_mem>>) src(%arg6 : memref<320x128xf32, #tpu.memory_space<vmem>>) dst(%dma_wait3A_26 : memref<320x128xf32, #tpu.memory_space<hbm>>)
    return
  }
}

#map = affine_map<(d0, d1) -> (0, 0)>
#map1 = affine_map<(d0, d1) -> (0)>
module attributes {stable_mosaic.version = 14 : i64} {
  func.func @sc_gather_14(%arg0: i32, %arg1: i32, %arg2: memref<100000x128xf32, #tpu.memory_space<hbm>>, %arg3: memref<204800xi32, #tpu.memory_space<hbm>>, %arg4: memref<204800x128xf32, #tpu.memory_space<hbm>>, %arg5: memref<1920xi32, #tpu.memory_space<vmem>>, %arg6: memref<320x128xf32, #tpu.memory_space<vmem>>, %arg7: memref<320x128xf32, #tpu.memory_space<vmem>>, %arg8: memref<!tpu.dma_semaphore, #tpu.memory_space<semaphore_mem>>, %arg9: memref<!tpu.dma_semaphore, #tpu.memory_space<semaphore_mem>>, %arg10: memref<!tpu.dma_semaphore, #tpu.memory_space<semaphore_mem>>, %arg11: memref<!tpu.dma_semaphore, #tpu.memory_space<semaphore_mem>>) attributes {dimension_semantics = [#tpu.dimension_semantics<core_parallel>, #tpu.dimension_semantics<subcore_parallel>], iteration_bounds = array<i64: 2, 16>, scalar_prefetch = 0 : i64, scratch_operands = 7 : i64, tpu.core_type = #tpu.core_type<sc_vector_subcore>, window_params = [{transform_indices = #map}, {transform_indices = #map1}, {transform_indices = #map}]} {
    %mul3A = arith.constant 2 : i32
    %mul3A_0 = arith.muli %arg1, %mul3A : i32
    %add3A = arith.addi %mul3A_0, %arg0 : i32
    %mul3A_1 = arith.constant 6 : i32
    %mul3A_2 = arith.muli %add3A, %mul3A_1 : i32
    %mul3A_3 = arith.constant 320 : i32
    %mul3A_4 = arith.muli %mul3A_2, %mul3A_3 : i32
    %add3A_5 = arith.constant 143360 : i32
    %add3A_6 = arith.addi %add3A_5, %mul3A_4 : i32
    "tpu.region"() ({
      %run_scoped3A = tpu.sem_alloc : memref<!tpu.dma_semaphore, #tpu.memory_space<semaphore_mem>>
      %dma_start3A_137 = tpu.memref_slice %arg3[%add3A_6] : memref<204800xi32, #tpu.memory_space<hbm>> -> memref<1920xi32, #tpu.memory_space<hbm>>
      %dma_start3A_138 = tpu.memref_slice %arg3[%add3A_6] : memref<204800xi32, #tpu.memory_space<hbm>> -> memref<1920xi32, #tpu.memory_space<hbm>>
      tpu.enqueue_dma source(%dma_start3A_138 : memref<1920xi32, #tpu.memory_space<hbm>>) target(%arg5 : memref<1920xi32, #tpu.memory_space<vmem>>) target_semaphore(%run_scoped3A : memref<!tpu.dma_semaphore, #tpu.memory_space<semaphore_mem>>)
      %dma_wait3A_139 = tpu.memref_slice %arg3[%add3A_6] : memref<204800xi32, #tpu.memory_space<hbm>> -> memref<1920xi32, #tpu.memory_space<hbm>>
      %dma_wait3A_140 = tpu.memref_slice %arg3[%add3A_6] : memref<204800xi32, #tpu.memory_space<hbm>> -> memref<1920xi32, #tpu.memory_space<hbm>>
      tpu.wait_dma2 semaphore(%run_scoped3A : memref<!tpu.dma_semaphore, #tpu.memory_space<semaphore_mem>>) src(%dma_wait3A_140 : memref<1920xi32, #tpu.memory_space<hbm>>) dst(%arg5 : memref<1920xi32, #tpu.memory_space<vmem>>)
      tpu.yield
    }) : () -> ()
    %dma_start3A = arith.constant 0 : i32
    %dma_start3A_7 = tpu.memref_slice %arg5[%dma_start3A] : memref<1920xi32, #tpu.memory_space<vmem>> -> memref<320xi32, #tpu.memory_space<vmem>>
    %dma_start3A_8 = arith.constant 0 : i32
    %dma_start3A_9 = arith.constant 0 : i32
    %dma_start3A_10 = tpu.memref_slice %arg2[%dma_start3A_8, %dma_start3A_9] : memref<100000x128xf32, #tpu.memory_space<hbm>> -> memref<100000x128xf32, #tpu.memory_space<hbm>>
    tpu.enqueue_indirect_dma source(%dma_start3A_10 : memref<100000x128xf32, #tpu.memory_space<hbm>>) target(%arg6 : memref<320x128xf32, #tpu.memory_space<vmem>>) offsets(%dma_start3A_7 : memref<320xi32, #tpu.memory_space<vmem>>) semaphore(%arg8 : memref<!tpu.dma_semaphore, #tpu.memory_space<semaphore_mem>>)
    %dma_wait3A = arith.constant 0 : i32
    %dma_wait3A_11 = tpu.memref_slice %arg5[%dma_wait3A] : memref<1920xi32, #tpu.memory_space<vmem>> -> memref<320xi32, #tpu.memory_space<vmem>>
    %dma_wait3A_12 = arith.constant 0 : i32
    %dma_wait3A_13 = arith.constant 0 : i32
    %dma_wait3A_14 = tpu.memref_slice %arg2[%dma_wait3A_12, %dma_wait3A_13] : memref<100000x128xf32, #tpu.memory_space<hbm>> -> memref<100000x128xf32, #tpu.memory_space<hbm>>
    tpu.wait_indirect_dma semaphore(%arg8 : memref<!tpu.dma_semaphore, #tpu.memory_space<semaphore_mem>>) src(%dma_wait3A_14 : memref<100000x128xf32, #tpu.memory_space<hbm>>) dst(%arg6 : memref<320x128xf32, #tpu.memory_space<vmem>>)
    %dma_start3A_15 = arith.constant 320 : i32
    %dma_start3A_16 = tpu.memref_slice %arg5[%dma_start3A_15] : memref<1920xi32, #tpu.memory_space<vmem>> -> memref<320xi32, #tpu.memory_space<vmem>>
    %dma_start3A_17 = arith.constant 0 : i32
    %dma_start3A_18 = arith.constant 0 : i32
    %dma_start3A_19 = tpu.memref_slice %arg2[%dma_start3A_17, %dma_start3A_18] : memref<100000x128xf32, #tpu.memory_space<hbm>> -> memref<100000x128xf32, #tpu.memory_space<hbm>>
    tpu.enqueue_indirect_dma source(%dma_start3A_19 : memref<100000x128xf32, #tpu.memory_space<hbm>>) target(%arg7 : memref<320x128xf32, #tpu.memory_space<vmem>>) offsets(%dma_start3A_16 : memref<320xi32, #tpu.memory_space<vmem>>) semaphore(%arg9 : memref<!tpu.dma_semaphore, #tpu.memory_space<semaphore_mem>>)
    %add3A_20 = arith.constant 0 : i32
    %add3A_21 = arith.addi %add3A_6, %add3A_20 : i32
    %dma_start3A_22 = arith.constant 0 : i32
    %dma_start3A_23 = tpu.memref_slice %arg4[%add3A_21, %dma_start3A_22] : memref<204800x128xf32, #tpu.memory_space<hbm>> -> memref<320x128xf32, #tpu.memory_space<hbm>>
    %dma_start3A_24 = arith.constant 0 : i32
    %dma_start3A_25 = tpu.memref_slice %arg4[%add3A_21, %dma_start3A_24] : memref<204800x128xf32, #tpu.memory_space<hbm>> -> memref<320x128xf32, #tpu.memory_space<hbm>>
    tpu.enqueue_dma source(%arg6 : memref<320x128xf32, #tpu.memory_space<vmem>>) target(%dma_start3A_25 : memref<320x128xf32, #tpu.memory_space<hbm>>) target_semaphore(%arg10 : memref<!tpu.dma_semaphore, #tpu.memory_space<semaphore_mem>>)
    %dma_wait3A_26 = arith.constant 320 : i32
    %dma_wait3A_27 = tpu.memref_slice %arg5[%dma_wait3A_26] : memref<1920xi32, #tpu.memory_space<vmem>> -> memref<320xi32, #tpu.memory_space<vmem>>
    %dma_wait3A_28 = arith.constant 0 : i32
    %dma_wait3A_29 = arith.constant 0 : i32
    %dma_wait3A_30 = tpu.memref_slice %arg2[%dma_wait3A_28, %dma_wait3A_29] : memref<100000x128xf32, #tpu.memory_space<hbm>> -> memref<100000x128xf32, #tpu.memory_space<hbm>>
    tpu.wait_indirect_dma semaphore(%arg9 : memref<!tpu.dma_semaphore, #tpu.memory_space<semaphore_mem>>) src(%dma_wait3A_30 : memref<100000x128xf32, #tpu.memory_space<hbm>>) dst(%arg7 : memref<320x128xf32, #tpu.memory_space<vmem>>)
    %add3A_31 = arith.constant 0 : i32
    %add3A_32 = arith.addi %add3A_6, %add3A_31 : i32
    %dma_wait3A_33 = arith.constant 0 : i32
    %dma_wait3A_34 = tpu.memref_slice %arg4[%add3A_32, %dma_wait3A_33] : memref<204800x128xf32, #tpu.memory_space<hbm>> -> memref<320x128xf32, #tpu.memory_space<hbm>>
    %dma_wait3A_35 = arith.constant 0 : i32
    %dma_wait3A_36 = tpu.memref_slice %arg4[%add3A_32, %dma_wait3A_35] : memref<204800x128xf32, #tpu.memory_space<hbm>> -> memref<320x128xf32, #tpu.memory_space<hbm>>
    tpu.wait_dma2 semaphore(%arg10 : memref<!tpu.dma_semaphore, #tpu.memory_space<semaphore_mem>>) src(%arg6 : memref<320x128xf32, #tpu.memory_space<vmem>>) dst(%dma_wait3A_36 : memref<320x128xf32, #tpu.memory_space<hbm>>)
    %dma_start3A_37 = arith.constant 640 : i32
    %dma_start3A_38 = tpu.memref_slice %arg5[%dma_start3A_37] : memref<1920xi32, #tpu.memory_space<vmem>> -> memref<320xi32, #tpu.memory_space<vmem>>
    %dma_start3A_39 = arith.constant 0 : i32
    %dma_start3A_40 = arith.constant 0 : i32
    %dma_start3A_41 = tpu.memref_slice %arg2[%dma_start3A_39, %dma_start3A_40] : memref<100000x128xf32, #tpu.memory_space<hbm>> -> memref<100000x128xf32, #tpu.memory_space<hbm>>
    tpu.enqueue_indirect_dma source(%dma_start3A_41 : memref<100000x128xf32, #tpu.memory_space<hbm>>) target(%arg6 : memref<320x128xf32, #tpu.memory_space<vmem>>) offsets(%dma_start3A_38 : memref<320xi32, #tpu.memory_space<vmem>>) semaphore(%arg8 : memref<!tpu.dma_semaphore, #tpu.memory_space<semaphore_mem>>)
    %add3A_42 = arith.constant 320 : i32
    %add3A_43 = arith.addi %add3A_6, %add3A_42 : i32
    %dma_start3A_44 = arith.constant 0 : i32
    %dma_start3A_45 = tpu.memref_slice %arg4[%add3A_43, %dma_start3A_44] : memref<204800x128xf32, #tpu.memory_space<hbm>> -> memref<320x128xf32, #tpu.memory_space<hbm>>
    %dma_start3A_46 = arith.constant 0 : i32
    %dma_start3A_47 = tpu.memref_slice %arg4[%add3A_43, %dma_start3A_46] : memref<204800x128xf32, #tpu.memory_space<hbm>> -> memref<320x128xf32, #tpu.memory_space<hbm>>
    tpu.enqueue_dma source(%arg7 : memref<320x128xf32, #tpu.memory_space<vmem>>) target(%dma_start3A_47 : memref<320x128xf32, #tpu.memory_space<hbm>>) target_semaphore(%arg11 : memref<!tpu.dma_semaphore, #tpu.memory_space<semaphore_mem>>)
    %dma_wait3A_48 = arith.constant 640 : i32
    %dma_wait3A_49 = tpu.memref_slice %arg5[%dma_wait3A_48] : memref<1920xi32, #tpu.memory_space<vmem>> -> memref<320xi32, #tpu.memory_space<vmem>>
    %dma_wait3A_50 = arith.constant 0 : i32
    %dma_wait3A_51 = arith.constant 0 : i32
    %dma_wait3A_52 = tpu.memref_slice %arg2[%dma_wait3A_50, %dma_wait3A_51] : memref<100000x128xf32, #tpu.memory_space<hbm>> -> memref<100000x128xf32, #tpu.memory_space<hbm>>
    tpu.wait_indirect_dma semaphore(%arg8 : memref<!tpu.dma_semaphore, #tpu.memory_space<semaphore_mem>>) src(%dma_wait3A_52 : memref<100000x128xf32, #tpu.memory_space<hbm>>) dst(%arg6 : memref<320x128xf32, #tpu.memory_space<vmem>>)
    %add3A_53 = arith.constant 320 : i32
    %add3A_54 = arith.addi %add3A_6, %add3A_53 : i32
    %dma_wait3A_55 = arith.constant 0 : i32
    %dma_wait3A_56 = tpu.memref_slice %arg4[%add3A_54, %dma_wait3A_55] : memref<204800x128xf32, #tpu.memory_space<hbm>> -> memref<320x128xf32, #tpu.memory_space<hbm>>
    %dma_wait3A_57 = arith.constant 0 : i32
    %dma_wait3A_58 = tpu.memref_slice %arg4[%add3A_54, %dma_wait3A_57] : memref<204800x128xf32, #tpu.memory_space<hbm>> -> memref<320x128xf32, #tpu.memory_space<hbm>>
    tpu.wait_dma2 semaphore(%arg11 : memref<!tpu.dma_semaphore, #tpu.memory_space<semaphore_mem>>) src(%arg7 : memref<320x128xf32, #tpu.memory_space<vmem>>) dst(%dma_wait3A_58 : memref<320x128xf32, #tpu.memory_space<hbm>>)
    %dma_start3A_59 = arith.constant 960 : i32
    %dma_start3A_60 = tpu.memref_slice %arg5[%dma_start3A_59] : memref<1920xi32, #tpu.memory_space<vmem>> -> memref<320xi32, #tpu.memory_space<vmem>>
    %dma_start3A_61 = arith.constant 0 : i32
    %dma_start3A_62 = arith.constant 0 : i32
    %dma_start3A_63 = tpu.memref_slice %arg2[%dma_start3A_61, %dma_start3A_62] : memref<100000x128xf32, #tpu.memory_space<hbm>> -> memref<100000x128xf32, #tpu.memory_space<hbm>>
    tpu.enqueue_indirect_dma source(%dma_start3A_63 : memref<100000x128xf32, #tpu.memory_space<hbm>>) target(%arg7 : memref<320x128xf32, #tpu.memory_space<vmem>>) offsets(%dma_start3A_60 : memref<320xi32, #tpu.memory_space<vmem>>) semaphore(%arg9 : memref<!tpu.dma_semaphore, #tpu.memory_space<semaphore_mem>>)
    %add3A_64 = arith.constant 640 : i32
    %add3A_65 = arith.addi %add3A_6, %add3A_64 : i32
    %dma_start3A_66 = arith.constant 0 : i32
    %dma_start3A_67 = tpu.memref_slice %arg4[%add3A_65, %dma_start3A_66] : memref<204800x128xf32, #tpu.memory_space<hbm>> -> memref<320x128xf32, #tpu.memory_space<hbm>>
    %dma_start3A_68 = arith.constant 0 : i32
    %dma_start3A_69 = tpu.memref_slice %arg4[%add3A_65, %dma_start3A_68] : memref<204800x128xf32, #tpu.memory_space<hbm>> -> memref<320x128xf32, #tpu.memory_space<hbm>>
    tpu.enqueue_dma source(%arg6 : memref<320x128xf32, #tpu.memory_space<vmem>>) target(%dma_start3A_69 : memref<320x128xf32, #tpu.memory_space<hbm>>) target_semaphore(%arg10 : memref<!tpu.dma_semaphore, #tpu.memory_space<semaphore_mem>>)
    %dma_wait3A_70 = arith.constant 960 : i32
    %dma_wait3A_71 = tpu.memref_slice %arg5[%dma_wait3A_70] : memref<1920xi32, #tpu.memory_space<vmem>> -> memref<320xi32, #tpu.memory_space<vmem>>
    %dma_wait3A_72 = arith.constant 0 : i32
    %dma_wait3A_73 = arith.constant 0 : i32
    %dma_wait3A_74 = tpu.memref_slice %arg2[%dma_wait3A_72, %dma_wait3A_73] : memref<100000x128xf32, #tpu.memory_space<hbm>> -> memref<100000x128xf32, #tpu.memory_space<hbm>>
    tpu.wait_indirect_dma semaphore(%arg9 : memref<!tpu.dma_semaphore, #tpu.memory_space<semaphore_mem>>) src(%dma_wait3A_74 : memref<100000x128xf32, #tpu.memory_space<hbm>>) dst(%arg7 : memref<320x128xf32, #tpu.memory_space<vmem>>)
    %add3A_75 = arith.constant 640 : i32
    %add3A_76 = arith.addi %add3A_6, %add3A_75 : i32
    %dma_wait3A_77 = arith.constant 0 : i32
    %dma_wait3A_78 = tpu.memref_slice %arg4[%add3A_76, %dma_wait3A_77] : memref<204800x128xf32, #tpu.memory_space<hbm>> -> memref<320x128xf32, #tpu.memory_space<hbm>>
    %dma_wait3A_79 = arith.constant 0 : i32
    %dma_wait3A_80 = tpu.memref_slice %arg4[%add3A_76, %dma_wait3A_79] : memref<204800x128xf32, #tpu.memory_space<hbm>> -> memref<320x128xf32, #tpu.memory_space<hbm>>
    tpu.wait_dma2 semaphore(%arg10 : memref<!tpu.dma_semaphore, #tpu.memory_space<semaphore_mem>>) src(%arg6 : memref<320x128xf32, #tpu.memory_space<vmem>>) dst(%dma_wait3A_80 : memref<320x128xf32, #tpu.memory_space<hbm>>)
    %dma_start3A_81 = arith.constant 1280 : i32
    %dma_start3A_82 = tpu.memref_slice %arg5[%dma_start3A_81] : memref<1920xi32, #tpu.memory_space<vmem>> -> memref<320xi32, #tpu.memory_space<vmem>>
    %dma_start3A_83 = arith.constant 0 : i32
    %dma_start3A_84 = arith.constant 0 : i32
    %dma_start3A_85 = tpu.memref_slice %arg2[%dma_start3A_83, %dma_start3A_84] : memref<100000x128xf32, #tpu.memory_space<hbm>> -> memref<100000x128xf32, #tpu.memory_space<hbm>>
    tpu.enqueue_indirect_dma source(%dma_start3A_85 : memref<100000x128xf32, #tpu.memory_space<hbm>>) target(%arg6 : memref<320x128xf32, #tpu.memory_space<vmem>>) offsets(%dma_start3A_82 : memref<320xi32, #tpu.memory_space<vmem>>) semaphore(%arg8 : memref<!tpu.dma_semaphore, #tpu.memory_space<semaphore_mem>>)
    %add3A_86 = arith.constant 960 : i32
    %add3A_87 = arith.addi %add3A_6, %add3A_86 : i32
    %dma_start3A_88 = arith.constant 0 : i32
    %dma_start3A_89 = tpu.memref_slice %arg4[%add3A_87, %dma_start3A_88] : memref<204800x128xf32, #tpu.memory_space<hbm>> -> memref<320x128xf32, #tpu.memory_space<hbm>>
    %dma_start3A_90 = arith.constant 0 : i32
    %dma_start3A_91 = tpu.memref_slice %arg4[%add3A_87, %dma_start3A_90] : memref<204800x128xf32, #tpu.memory_space<hbm>> -> memref<320x128xf32, #tpu.memory_space<hbm>>
    tpu.enqueue_dma source(%arg7 : memref<320x128xf32, #tpu.memory_space<vmem>>) target(%dma_start3A_91 : memref<320x128xf32, #tpu.memory_space<hbm>>) target_semaphore(%arg11 : memref<!tpu.dma_semaphore, #tpu.memory_space<semaphore_mem>>)
    %dma_wait3A_92 = arith.constant 1280 : i32
    %dma_wait3A_93 = tpu.memref_slice %arg5[%dma_wait3A_92] : memref<1920xi32, #tpu.memory_space<vmem>> -> memref<320xi32, #tpu.memory_space<vmem>>
    %dma_wait3A_94 = arith.constant 0 : i32
    %dma_wait3A_95 = arith.constant 0 : i32
    %dma_wait3A_96 = tpu.memref_slice %arg2[%dma_wait3A_94, %dma_wait3A_95] : memref<100000x128xf32, #tpu.memory_space<hbm>> -> memref<100000x128xf32, #tpu.memory_space<hbm>>
    tpu.wait_indirect_dma semaphore(%arg8 : memref<!tpu.dma_semaphore, #tpu.memory_space<semaphore_mem>>) src(%dma_wait3A_96 : memref<100000x128xf32, #tpu.memory_space<hbm>>) dst(%arg6 : memref<320x128xf32, #tpu.memory_space<vmem>>)
    %add3A_97 = arith.constant 960 : i32
    %add3A_98 = arith.addi %add3A_6, %add3A_97 : i32
    %dma_wait3A_99 = arith.constant 0 : i32
    %dma_wait3A_100 = tpu.memref_slice %arg4[%add3A_98, %dma_wait3A_99] : memref<204800x128xf32, #tpu.memory_space<hbm>> -> memref<320x128xf32, #tpu.memory_space<hbm>>
    %dma_wait3A_101 = arith.constant 0 : i32
    %dma_wait3A_102 = tpu.memref_slice %arg4[%add3A_98, %dma_wait3A_101] : memref<204800x128xf32, #tpu.memory_space<hbm>> -> memref<320x128xf32, #tpu.memory_space<hbm>>
    tpu.wait_dma2 semaphore(%arg11 : memref<!tpu.dma_semaphore, #tpu.memory_space<semaphore_mem>>) src(%arg7 : memref<320x128xf32, #tpu.memory_space<vmem>>) dst(%dma_wait3A_102 : memref<320x128xf32, #tpu.memory_space<hbm>>)
    %dma_start3A_103 = arith.constant 1600 : i32
    %dma_start3A_104 = tpu.memref_slice %arg5[%dma_start3A_103] : memref<1920xi32, #tpu.memory_space<vmem>> -> memref<320xi32, #tpu.memory_space<vmem>>
    %dma_start3A_105 = arith.constant 0 : i32
    %dma_start3A_106 = arith.constant 0 : i32
    %dma_start3A_107 = tpu.memref_slice %arg2[%dma_start3A_105, %dma_start3A_106] : memref<100000x128xf32, #tpu.memory_space<hbm>> -> memref<100000x128xf32, #tpu.memory_space<hbm>>
    tpu.enqueue_indirect_dma source(%dma_start3A_107 : memref<100000x128xf32, #tpu.memory_space<hbm>>) target(%arg7 : memref<320x128xf32, #tpu.memory_space<vmem>>) offsets(%dma_start3A_104 : memref<320xi32, #tpu.memory_space<vmem>>) semaphore(%arg9 : memref<!tpu.dma_semaphore, #tpu.memory_space<semaphore_mem>>)
    %add3A_108 = arith.constant 1280 : i32
    %add3A_109 = arith.addi %add3A_6, %add3A_108 : i32
    %dma_start3A_110 = arith.constant 0 : i32
    %dma_start3A_111 = tpu.memref_slice %arg4[%add3A_109, %dma_start3A_110] : memref<204800x128xf32, #tpu.memory_space<hbm>> -> memref<320x128xf32, #tpu.memory_space<hbm>>
    %dma_start3A_112 = arith.constant 0 : i32
    %dma_start3A_113 = tpu.memref_slice %arg4[%add3A_109, %dma_start3A_112] : memref<204800x128xf32, #tpu.memory_space<hbm>> -> memref<320x128xf32, #tpu.memory_space<hbm>>
    tpu.enqueue_dma source(%arg6 : memref<320x128xf32, #tpu.memory_space<vmem>>) target(%dma_start3A_113 : memref<320x128xf32, #tpu.memory_space<hbm>>) target_semaphore(%arg10 : memref<!tpu.dma_semaphore, #tpu.memory_space<semaphore_mem>>)
    %dma_wait3A_114 = arith.constant 1600 : i32
    %dma_wait3A_115 = tpu.memref_slice %arg5[%dma_wait3A_114] : memref<1920xi32, #tpu.memory_space<vmem>> -> memref<320xi32, #tpu.memory_space<vmem>>
    %dma_wait3A_116 = arith.constant 0 : i32
    %dma_wait3A_117 = arith.constant 0 : i32
    %dma_wait3A_118 = tpu.memref_slice %arg2[%dma_wait3A_116, %dma_wait3A_117] : memref<100000x128xf32, #tpu.memory_space<hbm>> -> memref<100000x128xf32, #tpu.memory_space<hbm>>
    tpu.wait_indirect_dma semaphore(%arg9 : memref<!tpu.dma_semaphore, #tpu.memory_space<semaphore_mem>>) src(%dma_wait3A_118 : memref<100000x128xf32, #tpu.memory_space<hbm>>) dst(%arg7 : memref<320x128xf32, #tpu.memory_space<vmem>>)
    %add3A_119 = arith.constant 1600 : i32
    %add3A_120 = arith.addi %add3A_6, %add3A_119 : i32
    %dma_start3A_121 = arith.constant 0 : i32
    %dma_start3A_122 = tpu.memref_slice %arg4[%add3A_120, %dma_start3A_121] : memref<204800x128xf32, #tpu.memory_space<hbm>> -> memref<320x128xf32, #tpu.memory_space<hbm>>
    %dma_start3A_123 = arith.constant 0 : i32
    %dma_start3A_124 = tpu.memref_slice %arg4[%add3A_120, %dma_start3A_123] : memref<204800x128xf32, #tpu.memory_space<hbm>> -> memref<320x128xf32, #tpu.memory_space<hbm>>
    tpu.enqueue_dma source(%arg7 : memref<320x128xf32, #tpu.memory_space<vmem>>) target(%dma_start3A_124 : memref<320x128xf32, #tpu.memory_space<hbm>>) target_semaphore(%arg11 : memref<!tpu.dma_semaphore, #tpu.memory_space<semaphore_mem>>)
    %add3A_125 = arith.constant 1280 : i32
    %add3A_126 = arith.addi %add3A_6, %add3A_125 : i32
    %dma_wait3A_127 = arith.constant 0 : i32
    %dma_wait3A_128 = tpu.memref_slice %arg4[%add3A_126, %dma_wait3A_127] : memref<204800x128xf32, #tpu.memory_space<hbm>> -> memref<320x128xf32, #tpu.memory_space<hbm>>
    %dma_wait3A_129 = arith.constant 0 : i32
    %dma_wait3A_130 = tpu.memref_slice %arg4[%add3A_126, %dma_wait3A_129] : memref<204800x128xf32, #tpu.memory_space<hbm>> -> memref<320x128xf32, #tpu.memory_space<hbm>>
    tpu.wait_dma2 semaphore(%arg10 : memref<!tpu.dma_semaphore, #tpu.memory_space<semaphore_mem>>) src(%arg6 : memref<320x128xf32, #tpu.memory_space<vmem>>) dst(%dma_wait3A_130 : memref<320x128xf32, #tpu.memory_space<hbm>>)
    %add3A_131 = arith.constant 1600 : i32
    %add3A_132 = arith.addi %add3A_6, %add3A_131 : i32
    %dma_wait3A_133 = arith.constant 0 : i32
    %dma_wait3A_134 = tpu.memref_slice %arg4[%add3A_132, %dma_wait3A_133] : memref<204800x128xf32, #tpu.memory_space<hbm>> -> memref<320x128xf32, #tpu.memory_space<hbm>>
    %dma_wait3A_135 = arith.constant 0 : i32
    %dma_wait3A_136 = tpu.memref_slice %arg4[%add3A_132, %dma_wait3A_135] : memref<204800x128xf32, #tpu.memory_space<hbm>> -> memref<320x128xf32, #tpu.memory_space<hbm>>
    tpu.wait_dma2 semaphore(%arg11 : memref<!tpu.dma_semaphore, #tpu.memory_space<semaphore_mem>>) src(%arg7 : memref<320x128xf32, #tpu.memory_space<vmem>>) dst(%dma_wait3A_136 : memref<320x128xf32, #tpu.memory_space<hbm>>)
    return
  }
}

module attributes {stable_mosaic.version = 14 : i64} {
  func.func @proj_add_0(%arg0: i32, %arg1: memref<5120x128xf32, #tpu.memory_space<vmem>>, %arg2: memref<5120x128xf32, #tpu.memory_space<vmem>>, %arg3: memref<128x256xf32, #tpu.memory_space<vmem>>, %arg4: memref<5120x128xf32, #tpu.memory_space<vmem>>) attributes {dimension_semantics = [#tpu.dimension_semantics<arbitrary>], iteration_bounds = array<i64: 2>, scalar_prefetch = 0 : i64, scratch_operands = 0 : i64, tpu.core_type = #tpu.core_type<tc>, window_params = [{transform_indices = @transform_0, window_bounds = array<i64: 5120, 128>}, {transform_indices = @transform_1, window_bounds = array<i64: 5120, 128>}, {pipeline_mode = #tpu.pipeline_mode<synchronous>, transform_indices = @transform_2, window_bounds = array<i64: 128, 256>}, {transform_indices = @transform_3, window_bounds = array<i64: 5120, 128>}]} {
    %get3A = arith.constant 0 : index
    %get3A_0 = arith.constant 0 : index
    %get3A_1 = vector.load %arg3[%get3A, %get3A_0] : memref<128x256xf32, #tpu.memory_space<vmem>>, vector<128x256xf32>
    %slice3A = vector.extract_strided_slice %get3A_1 {offsets = [0, 0], sizes = [128, 128], strides = [1, 1]} : vector<128x256xf32> to vector<128x128xf32>
    %slice3A_2 = vector.extract_strided_slice %get3A_1 {offsets = [0, 128], sizes = [128, 128], strides = [1, 1]} : vector<128x256xf32> to vector<128x128xf32>
    %add3A = arith.addf %slice3A, %slice3A_2 : vector<128x128xf32>
    %mul3A = arith.constant 2.500000e-01 : f32
    %mul3A_3 = vector.broadcast %mul3A : f32 to vector<128x128xf32>
    %mul3A_4 = arith.mulf %add3A, %mul3A_3 : vector<128x128xf32>
    %get3A_5 = arith.constant 0 : index
    %get3A_6 = arith.constant 0 : index
    %get3A_7 = vector.load %arg1[%get3A_5, %get3A_6] : memref<5120x128xf32, #tpu.memory_space<vmem>>, vector<5120x128xf32>
    %dot_general3A = arith.constant dense<0.000000e+00> : vector<5120x128xf32>
    %dot_general3A_8 = tpu.matmul %get3A_7, %mul3A_4, %dot_general3A {dimension_numbers = #tpu.dot_dimension_numbers<[1], [1], [0], [0], [0, 0, 1, 0], [], []>, transpose_lhs_hint = false} : vector<5120x128xf32>, vector<128x128xf32>, vector<5120x128xf32> -> vector<5120x128xf32>
    %get3A_9 = arith.constant 0 : index
    %get3A_10 = arith.constant 0 : index
    %get3A_11 = vector.load %arg2[%get3A_9, %get3A_10] : memref<5120x128xf32, #tpu.memory_space<vmem>>, vector<5120x128xf32>
    %add3A_12 = arith.addf %dot_general3A_8, %get3A_11 : vector<5120x128xf32>
    %swap3A = arith.constant 0 : index
    %swap3A_13 = arith.constant 0 : index
    %swap3A_14 = vector.load %arg4[%swap3A, %swap3A_13] : memref<5120x128xf32, #tpu.memory_space<vmem>>, vector<5120x128xf32>
    tpu.vector_store %arg4[%swap3A, %swap3A_13], %add3A_12 {strides = array<i32>} : memref<5120x128xf32, #tpu.memory_space<vmem>>, vector<5120x128xf32>,
    return
  }
  func.func @transform_0(%arg0: i32) -> (i32, i32) {
    %add3A = arith.constant 0 : i32
    %add3A_0 = arith.addi %add3A, %arg0 : i32
    %c0_i32 = arith.constant 0 : i32
    %c0_i32_1 = arith.constant 0 : i32
    return %add3A_0, %c0_i32 : i32, i32
  }
  func.func @transform_1(%arg0: i32) -> (i32, i32) {
    %add3A = arith.constant 0 : i32
    %add3A_0 = arith.addi %add3A, %arg0 : i32
    %c0_i32 = arith.constant 0 : i32
    %c0_i32_1 = arith.constant 0 : i32
    return %add3A_0, %c0_i32 : i32, i32
  }
  func.func @transform_2(%arg0: i32) -> (i32, i32) {
    %c0_i32 = arith.constant 0 : i32
    %c0_i32_0 = arith.constant 0 : i32
    %c0_i32_1 = arith.constant 0 : i32
    return %c0_i32, %c0_i32_0 : i32, i32
  }
  func.func @transform_3(%arg0: i32) -> (i32, i32) {
    %add3A = arith.constant 0 : i32
    %add3A_0 = arith.addi %add3A, %arg0 : i32
    %c0_i32 = arith.constant 0 : i32
    %c0_i32_1 = arith.constant 0 : i32
    return %add3A_0, %c0_i32 : i32, i32
  }
}

module attributes {stable_mosaic.version = 14 : i64} {
  func.func @fuse_tables(%arg0: i32, %arg1: memref<4000x128xf32, #tpu.memory_space<vmem>>, %arg2: memref<4000x128xf32, #tpu.memory_space<vmem>>, %arg3: memref<4000x128xf32, #tpu.memory_space<vmem>>, %arg4: memref<128x256xf32, #tpu.memory_space<vmem>>, %arg5: memref<1x128xf32, #tpu.memory_space<vmem>>, %arg6: memref<4000x128xf32, #tpu.memory_space<vmem>>) attributes {dimension_semantics = [#tpu.dimension_semantics<arbitrary>], iteration_bounds = array<i64: 25>, scalar_prefetch = 0 : i64, scratch_operands = 0 : i64, tpu.core_type = #tpu.core_type<tc>, window_params = [{transform_indices = @transform_0, window_bounds = array<i64: 4000, 128>}, {transform_indices = @transform_1, window_bounds = array<i64: 4000, 128>}, {transform_indices = @transform_2, window_bounds = array<i64: 4000, 128>}, {pipeline_mode = #tpu.pipeline_mode<synchronous>, transform_indices = @transform_3, window_bounds = array<i64: 128, 256>}, {pipeline_mode = #tpu.pipeline_mode<synchronous>, transform_indices = @transform_4, window_bounds = array<i64: 1, 128>}, {transform_indices = @transform_5, window_bounds = array<i64: 4000, 128>}]} {
    %get3A = arith.constant 0 : index
    %get3A_0 = arith.constant 0 : index
    %get3A_1 = vector.load %arg4[%get3A, %get3A_0] : memref<128x256xf32, #tpu.memory_space<vmem>>, vector<128x256xf32>
    %slice3A = vector.extract_strided_slice %get3A_1 {offsets = [0, 0], sizes = [128, 128], strides = [1, 1]} : vector<128x256xf32> to vector<128x128xf32>
    %slice3A_2 = vector.extract_strided_slice %get3A_1 {offsets = [0, 128], sizes = [128, 128], strides = [1, 1]} : vector<128x256xf32> to vector<128x128xf32>
    %get3A_3 = arith.constant 0 : index
    %get3A_4 = arith.constant 0 : index
    %get3A_5 = vector.load %arg1[%get3A_3, %get3A_4] : memref<4000x128xf32, #tpu.memory_space<vmem>>, vector<4000x128xf32>
    %add3A = arith.addf %slice3A, %slice3A_2 : vector<128x128xf32>
    %mul3A = arith.constant 2.500000e-01 : f32
    %mul3A_6 = vector.broadcast %mul3A : f32 to vector<128x128xf32>
    %mul3A_7 = arith.mulf %add3A, %mul3A_6 : vector<128x128xf32>
    %dot_general3A = arith.constant dense<0.000000e+00> : vector<4000x128xf32>
    %dot_general3A_8 = tpu.matmul %get3A_5, %mul3A_7, %dot_general3A {dimension_numbers = #tpu.dot_dimension_numbers<[1], [1], [0], [0], [0, 0, 1, 0], [], []>, transpose_lhs_hint = false} : vector<4000x128xf32>, vector<128x128xf32>, vector<4000x128xf32> -> vector<4000x128xf32>
    %get3A_9 = arith.constant 0 : index
    %get3A_10 = arith.constant 0 : index
    %get3A_11 = vector.load %arg2[%get3A_9, %get3A_10] : memref<4000x128xf32, #tpu.memory_space<vmem>>, vector<4000x128xf32>
    %mul3A_12 = arith.constant 5.000000e-01 : f32
    %mul3A_13 = vector.broadcast %mul3A_12 : f32 to vector<128x128xf32>
    %mul3A_14 = arith.mulf %slice3A, %mul3A_13 : vector<128x128xf32>
    %dot_general3A_15 = arith.constant dense<0.000000e+00> : vector<4000x128xf32>
    %dot_general3A_16 = tpu.matmul %get3A_11, %mul3A_14, %dot_general3A_15 {dimension_numbers = #tpu.dot_dimension_numbers<[1], [1], [0], [0], [0, 0, 1, 0], [], []>, transpose_lhs_hint = false} : vector<4000x128xf32>, vector<128x128xf32>, vector<4000x128xf32> -> vector<4000x128xf32>
    %add3A_17 = arith.addf %dot_general3A_8, %dot_general3A_16 : vector<4000x128xf32>
    %get3A_18 = arith.constant 0 : index
    %get3A_19 = arith.constant 0 : index
    %get3A_20 = vector.load %arg3[%get3A_18, %get3A_19] : memref<4000x128xf32, #tpu.memory_space<vmem>>, vector<4000x128xf32>
    %mul3A_21 = arith.constant 5.000000e-01 : f32
    %mul3A_22 = vector.broadcast %mul3A_21 : f32 to vector<128x128xf32>
    %mul3A_23 = arith.mulf %slice3A_2, %mul3A_22 : vector<128x128xf32>
    %dot_general3A_24 = arith.constant dense<0.000000e+00> : vector<4000x128xf32>
    %dot_general3A_25 = tpu.matmul %get3A_20, %mul3A_23, %dot_general3A_24 {dimension_numbers = #tpu.dot_dimension_numbers<[1], [1], [0], [0], [0, 0, 1, 0], [], []>, transpose_lhs_hint = false} : vector<4000x128xf32>, vector<128x128xf32>, vector<4000x128xf32> -> vector<4000x128xf32>
    %add3A_26 = arith.addf %add3A_17, %dot_general3A_25 : vector<4000x128xf32>
    %get3A_27 = arith.constant 0 : index
    %get3A_28 = arith.constant 0 : index
    %get3A_29 = vector.load %arg5[%get3A_27, %get3A_28] : memref<1x128xf32, #tpu.memory_space<vmem>>, vector<1x128xf32>
    %add3A_30 = vector.broadcast %get3A_29 : vector<1x128xf32> to vector<4000x128xf32>
    %add3A_31 = arith.addf %add3A_26, %add3A_30 : vector<4000x128xf32>
    %swap3A = arith.constant 0 : index
    %swap3A_32 = arith.constant 0 : index
    %swap3A_33 = vector.load %arg6[%swap3A, %swap3A_32] : memref<4000x128xf32, #tpu.memory_space<vmem>>, vector<4000x128xf32>
    tpu.vector_store %arg6[%swap3A, %swap3A_32], %add3A_31 {strides = array<i32>} : memref<4000x128xf32, #tpu.memory_space<vmem>>, vector<4000x128xf32>,
    return
  }
  func.func @transform_0(%arg0: i32) -> (i32, i32) {
    %c0_i32 = arith.constant 0 : i32
    %c0_i32_0 = arith.constant 0 : i32
    return %arg0, %c0_i32 : i32, i32
  }
  func.func @transform_1(%arg0: i32) -> (i32, i32) {
    %c0_i32 = arith.constant 0 : i32
    %c0_i32_0 = arith.constant 0 : i32
    return %arg0, %c0_i32 : i32, i32
  }
  func.func @transform_2(%arg0: i32) -> (i32, i32) {
    %c0_i32 = arith.constant 0 : i32
    %c0_i32_0 = arith.constant 0 : i32
    return %arg0, %c0_i32 : i32, i32
  }
  func.func @transform_3(%arg0: i32) -> (i32, i32) {
    %c0_i32 = arith.constant 0 : i32
    %c0_i32_0 = arith.constant 0 : i32
    %c0_i32_1 = arith.constant 0 : i32
    return %c0_i32, %c0_i32_0 : i32, i32
  }
  func.func @transform_4(%arg0: i32) -> (i32, i32) {
    %c0_i32 = arith.constant 0 : i32
    %c0_i32_0 = arith.constant 0 : i32
    %c0_i32_1 = arith.constant 0 : i32
    return %c0_i32, %c0_i32_0 : i32, i32
  }
  func.func @transform_5(%arg0: i32) -> (i32, i32) {
    %c0_i32 = arith.constant 0 : i32
    %c0_i32_0 = arith.constant 0 : i32
    return %arg0, %c0_i32 : i32, i32
  }
}

module attributes {stable_mosaic.version = 14 : i64} {
  func.func @proj_add_1(%arg0: i32, %arg1: memref<5120x128xf32, #tpu.memory_space<vmem>>, %arg2: memref<5120x128xf32, #tpu.memory_space<vmem>>, %arg3: memref<128x256xf32, #tpu.memory_space<vmem>>, %arg4: memref<204800x128xf32, #tpu.memory_space<any>>, %arg5: memref<5120x128xf32, #tpu.memory_space<vmem>>) attributes {dimension_semantics = [#tpu.dimension_semantics<arbitrary>], iteration_bounds = array<i64: 4>, scalar_prefetch = 0 : i64, scratch_operands = 0 : i64, tpu.core_type = #tpu.core_type<tc>, window_params = [{transform_indices = @transform_0, window_bounds = array<i64: 5120, 128>}, {transform_indices = @transform_1, window_bounds = array<i64: 5120, 128>}, {pipeline_mode = #tpu.pipeline_mode<synchronous>, transform_indices = @transform_2, window_bounds = array<i64: 128, 256>}, {}, {transform_indices = @transform_4, window_bounds = array<i64: 5120, 128>}]} {
    %get3A = arith.constant 0 : index
    %get3A_0 = arith.constant 0 : index
    %get3A_1 = vector.load %arg3[%get3A, %get3A_0] : memref<128x256xf32, #tpu.memory_space<vmem>>, vector<128x256xf32>
    %slice3A = vector.extract_strided_slice %get3A_1 {offsets = [0, 0], sizes = [128, 128], strides = [1, 1]} : vector<128x256xf32> to vector<128x128xf32>
    %slice3A_2 = vector.extract_strided_slice %get3A_1 {offsets = [0, 128], sizes = [128, 128], strides = [1, 1]} : vector<128x256xf32> to vector<128x128xf32>
    %add3A = arith.addf %slice3A, %slice3A_2 : vector<128x128xf32>
    %mul3A = arith.constant 2.500000e-01 : f32
    %mul3A_3 = vector.broadcast %mul3A : f32 to vector<128x128xf32>
    %mul3A_4 = arith.mulf %add3A, %mul3A_3 : vector<128x128xf32>
    %get3A_5 = arith.constant 0 : index
    %get3A_6 = arith.constant 0 : index
    %get3A_7 = vector.load %arg1[%get3A_5, %get3A_6] : memref<5120x128xf32, #tpu.memory_space<vmem>>, vector<5120x128xf32>
    %dot_general3A = arith.constant dense<0.000000e+00> : vector<5120x128xf32>
    %dot_general3A_8 = tpu.matmul %get3A_7, %mul3A_4, %dot_general3A {dimension_numbers = #tpu.dot_dimension_numbers<[1], [1], [0], [0], [0, 0, 1, 0], [], []>, transpose_lhs_hint = false} : vector<5120x128xf32>, vector<128x128xf32>, vector<5120x128xf32> -> vector<5120x128xf32>
    %get3A_9 = arith.constant 0 : index
    %get3A_10 = arith.constant 0 : index
    %get3A_11 = vector.load %arg2[%get3A_9, %get3A_10] : memref<5120x128xf32, #tpu.memory_space<vmem>>, vector<5120x128xf32>
    %add3A_12 = arith.addf %dot_general3A_8, %get3A_11 : vector<5120x128xf32>
    %swap3A = arith.constant 0 : index
    %swap3A_13 = arith.constant 0 : index
    %swap3A_14 = vector.load %arg5[%swap3A, %swap3A_13] : memref<5120x128xf32, #tpu.memory_space<vmem>>, vector<5120x128xf32>
    tpu.vector_store %arg5[%swap3A, %swap3A_13], %add3A_12 {strides = array<i32>} : memref<5120x128xf32, #tpu.memory_space<vmem>>, vector<5120x128xf32>,
    return
  }
  func.func @transform_0(%arg0: i32) -> (i32, i32) {
    %add3A = arith.constant 2 : i32
    %add3A_0 = arith.addi %add3A, %arg0 : i32
    %c0_i32 = arith.constant 0 : i32
    %c0_i32_1 = arith.constant 0 : i32
    return %add3A_0, %c0_i32 : i32, i32
  }
  func.func @transform_1(%arg0: i32) -> (i32, i32) {
    %add3A = arith.constant 2 : i32
    %add3A_0 = arith.addi %add3A, %arg0 : i32
    %c0_i32 = arith.constant 0 : i32
    %c0_i32_1 = arith.constant 0 : i32
    return %add3A_0, %c0_i32 : i32, i32
  }
  func.func @transform_2(%arg0: i32) -> (i32, i32) {
    %c0_i32 = arith.constant 0 : i32
    %c0_i32_0 = arith.constant 0 : i32
    %c0_i32_1 = arith.constant 0 : i32
    return %c0_i32, %c0_i32_0 : i32, i32
  }
  func.func @transform_4(%arg0: i32) -> (i32, i32) {
    %add3A = arith.constant 2 : i32
    %add3A_0 = arith.addi %add3A, %arg0 : i32
    %c0_i32 = arith.constant 0 : i32
    %c0_i32_1 = arith.constant 0 : i32
    return %add3A_0, %c0_i32 : i32, i32
  }
}

module attributes {stable_mosaic.version = 14 : i64} {
  func.func @proj_add_3(%arg0: i32, %arg1: memref<5120x128xf32, #tpu.memory_space<vmem>>, %arg2: memref<5120x128xf32, #tpu.memory_space<vmem>>, %arg3: memref<128x256xf32, #tpu.memory_space<vmem>>, %arg4: memref<204800x128xf32, #tpu.memory_space<any>>, %arg5: memref<5120x128xf32, #tpu.memory_space<vmem>>) attributes {dimension_semantics = [#tpu.dimension_semantics<arbitrary>], iteration_bounds = array<i64: 10>, scalar_prefetch = 0 : i64, scratch_operands = 0 : i64, tpu.core_type = #tpu.core_type<tc>, window_params = [{transform_indices = @transform_0, window_bounds = array<i64: 5120, 128>}, {transform_indices = @transform_1, window_bounds = array<i64: 5120, 128>}, {pipeline_mode = #tpu.pipeline_mode<synchronous>, transform_indices = @transform_2, window_bounds = array<i64: 128, 256>}, {}, {transform_indices = @transform_4, window_bounds = array<i64: 5120, 128>}]} {
    %get3A = arith.constant 0 : index
    %get3A_0 = arith.constant 0 : index
    %get3A_1 = vector.load %arg3[%get3A, %get3A_0] : memref<128x256xf32, #tpu.memory_space<vmem>>, vector<128x256xf32>
    %slice3A = vector.extract_strided_slice %get3A_1 {offsets = [0, 0], sizes = [128, 128], strides = [1, 1]} : vector<128x256xf32> to vector<128x128xf32>
    %slice3A_2 = vector.extract_strided_slice %get3A_1 {offsets = [0, 128], sizes = [128, 128], strides = [1, 1]} : vector<128x256xf32> to vector<128x128xf32>
    %add3A = arith.addf %slice3A, %slice3A_2 : vector<128x128xf32>
    %mul3A = arith.constant 2.500000e-01 : f32
    %mul3A_3 = vector.broadcast %mul3A : f32 to vector<128x128xf32>
    %mul3A_4 = arith.mulf %add3A, %mul3A_3 : vector<128x128xf32>
    %get3A_5 = arith.constant 0 : index
    %get3A_6 = arith.constant 0 : index
    %get3A_7 = vector.load %arg1[%get3A_5, %get3A_6] : memref<5120x128xf32, #tpu.memory_space<vmem>>, vector<5120x128xf32>
    %dot_general3A = arith.constant dense<0.000000e+00> : vector<5120x128xf32>
    %dot_general3A_8 = tpu.matmul %get3A_7, %mul3A_4, %dot_general3A {dimension_numbers = #tpu.dot_dimension_numbers<[1], [1], [0], [0], [0, 0, 1, 0], [], []>, transpose_lhs_hint = false} : vector<5120x128xf32>, vector<128x128xf32>, vector<5120x128xf32> -> vector<5120x128xf32>
    %get3A_9 = arith.constant 0 : index
    %get3A_10 = arith.constant 0 : index
    %get3A_11 = vector.load %arg2[%get3A_9, %get3A_10] : memref<5120x128xf32, #tpu.memory_space<vmem>>, vector<5120x128xf32>
    %add3A_12 = arith.addf %dot_general3A_8, %get3A_11 : vector<5120x128xf32>
    %swap3A = arith.constant 0 : index
    %swap3A_13 = arith.constant 0 : index
    %swap3A_14 = vector.load %arg5[%swap3A, %swap3A_13] : memref<5120x128xf32, #tpu.memory_space<vmem>>, vector<5120x128xf32>
    tpu.vector_store %arg5[%swap3A, %swap3A_13], %add3A_12 {strides = array<i32>} : memref<5120x128xf32, #tpu.memory_space<vmem>>, vector<5120x128xf32>,
    return
  }
  func.func @transform_0(%arg0: i32) -> (i32, i32) {
    %add3A = arith.constant 6 : i32
    %add3A_0 = arith.addi %add3A, %arg0 : i32
    %c0_i32 = arith.constant 0 : i32
    %c0_i32_1 = arith.constant 0 : i32
    return %add3A_0, %c0_i32 : i32, i32
  }
  func.func @transform_1(%arg0: i32) -> (i32, i32) {
    %add3A = arith.constant 6 : i32
    %add3A_0 = arith.addi %add3A, %arg0 : i32
    %c0_i32 = arith.constant 0 : i32
    %c0_i32_1 = arith.constant 0 : i32
    return %add3A_0, %c0_i32 : i32, i32
  }
  func.func @transform_2(%arg0: i32) -> (i32, i32) {
    %c0_i32 = arith.constant 0 : i32
    %c0_i32_0 = arith.constant 0 : i32
    %c0_i32_1 = arith.constant 0 : i32
    return %c0_i32, %c0_i32_0 : i32, i32
  }
  func.func @transform_4(%arg0: i32) -> (i32, i32) {
    %add3A = arith.constant 6 : i32
    %add3A_0 = arith.addi %add3A, %arg0 : i32
    %c0_i32 = arith.constant 0 : i32
    %c0_i32_1 = arith.constant 0 : i32
    return %add3A_0, %c0_i32 : i32, i32
  }
}

module attributes {stable_mosaic.version = 14 : i64} {
  func.func @proj_add_8(%arg0: i32, %arg1: memref<5120x128xf32, #tpu.memory_space<vmem>>, %arg2: memref<5120x128xf32, #tpu.memory_space<vmem>>, %arg3: memref<128x256xf32, #tpu.memory_space<vmem>>, %arg4: memref<204800x128xf32, #tpu.memory_space<any>>, %arg5: memref<5120x128xf32, #tpu.memory_space<vmem>>) attributes {dimension_semantics = [#tpu.dimension_semantics<arbitrary>], iteration_bounds = array<i64: 12>, scalar_prefetch = 0 : i64, scratch_operands = 0 : i64, tpu.core_type = #tpu.core_type<tc>, window_params = [{transform_indices = @transform_0, window_bounds = array<i64: 5120, 128>}, {transform_indices = @transform_1, window_bounds = array<i64: 5120, 128>}, {pipeline_mode = #tpu.pipeline_mode<synchronous>, transform_indices = @transform_2, window_bounds = array<i64: 128, 256>}, {}, {transform_indices = @transform_4, window_bounds = array<i64: 5120, 128>}]} {
    %get3A = arith.constant 0 : index
    %get3A_0 = arith.constant 0 : index
    %get3A_1 = vector.load %arg3[%get3A, %get3A_0] : memref<128x256xf32, #tpu.memory_space<vmem>>, vector<128x256xf32>
    %slice3A = vector.extract_strided_slice %get3A_1 {offsets = [0, 0], sizes = [128, 128], strides = [1, 1]} : vector<128x256xf32> to vector<128x128xf32>
    %slice3A_2 = vector.extract_strided_slice %get3A_1 {offsets = [0, 128], sizes = [128, 128], strides = [1, 1]} : vector<128x256xf32> to vector<128x128xf32>
    %add3A = arith.addf %slice3A, %slice3A_2 : vector<128x128xf32>
    %mul3A = arith.constant 2.500000e-01 : f32
    %mul3A_3 = vector.broadcast %mul3A : f32 to vector<128x128xf32>
    %mul3A_4 = arith.mulf %add3A, %mul3A_3 : vector<128x128xf32>
    %get3A_5 = arith.constant 0 : index
    %get3A_6 = arith.constant 0 : index
    %get3A_7 = vector.load %arg1[%get3A_5, %get3A_6] : memref<5120x128xf32, #tpu.memory_space<vmem>>, vector<5120x128xf32>
    %dot_general3A = arith.constant dense<0.000000e+00> : vector<5120x128xf32>
    %dot_general3A_8 = tpu.matmul %get3A_7, %mul3A_4, %dot_general3A {dimension_numbers = #tpu.dot_dimension_numbers<[1], [1], [0], [0], [0, 0, 1, 0], [], []>, transpose_lhs_hint = false} : vector<5120x128xf32>, vector<128x128xf32>, vector<5120x128xf32> -> vector<5120x128xf32>
    %get3A_9 = arith.constant 0 : index
    %get3A_10 = arith.constant 0 : index
    %get3A_11 = vector.load %arg2[%get3A_9, %get3A_10] : memref<5120x128xf32, #tpu.memory_space<vmem>>, vector<5120x128xf32>
    %add3A_12 = arith.addf %dot_general3A_8, %get3A_11 : vector<5120x128xf32>
    %swap3A = arith.constant 0 : index
    %swap3A_13 = arith.constant 0 : index
    %swap3A_14 = vector.load %arg5[%swap3A, %swap3A_13] : memref<5120x128xf32, #tpu.memory_space<vmem>>, vector<5120x128xf32>
    tpu.vector_store %arg5[%swap3A, %swap3A_13], %add3A_12 {strides = array<i32>} : memref<5120x128xf32, #tpu.memory_space<vmem>>, vector<5120x128xf32>,
    return
  }
  func.func @transform_0(%arg0: i32) -> (i32, i32) {
    %add3A = arith.constant 16 : i32
    %add3A_0 = arith.addi %add3A, %arg0 : i32
    %c0_i32 = arith.constant 0 : i32
    %c0_i32_1 = arith.constant 0 : i32
    return %add3A_0, %c0_i32 : i32, i32
  }
  func.func @transform_1(%arg0: i32) -> (i32, i32) {
    %add3A = arith.constant 16 : i32
    %add3A_0 = arith.addi %add3A, %arg0 : i32
    %c0_i32 = arith.constant 0 : i32
    %c0_i32_1 = arith.constant 0 : i32
    return %add3A_0, %c0_i32 : i32, i32
  }
  func.func @transform_2(%arg0: i32) -> (i32, i32) {
    %c0_i32 = arith.constant 0 : i32
    %c0_i32_0 = arith.constant 0 : i32
    %c0_i32_1 = arith.constant 0 : i32
    return %c0_i32, %c0_i32_0 : i32, i32
  }
  func.func @transform_4(%arg0: i32) -> (i32, i32) {
    %add3A = arith.constant 16 : i32
    %add3A_0 = arith.addi %add3A, %arg0 : i32
    %c0_i32 = arith.constant 0 : i32
    %c0_i32_1 = arith.constant 0 : i32
    return %add3A_0, %c0_i32 : i32, i32
  }
}

module attributes {stable_mosaic.version = 14 : i64} {
  func.func @proj_add_14(%arg0: i32, %arg1: memref<5120x128xf32, #tpu.memory_space<vmem>>, %arg2: memref<5120x128xf32, #tpu.memory_space<vmem>>, %arg3: memref<128x256xf32, #tpu.memory_space<vmem>>, %arg4: memref<204800x128xf32, #tpu.memory_space<any>>, %arg5: memref<5120x128xf32, #tpu.memory_space<vmem>>) attributes {dimension_semantics = [#tpu.dimension_semantics<arbitrary>], iteration_bounds = array<i64: 12>, scalar_prefetch = 0 : i64, scratch_operands = 0 : i64, tpu.core_type = #tpu.core_type<tc>, window_params = [{transform_indices = @transform_0, window_bounds = array<i64: 5120, 128>}, {transform_indices = @transform_1, window_bounds = array<i64: 5120, 128>}, {pipeline_mode = #tpu.pipeline_mode<synchronous>, transform_indices = @transform_2, window_bounds = array<i64: 128, 256>}, {}, {transform_indices = @transform_4, window_bounds = array<i64: 5120, 128>}]} {
    %get3A = arith.constant 0 : index
    %get3A_0 = arith.constant 0 : index
    %get3A_1 = vector.load %arg3[%get3A, %get3A_0] : memref<128x256xf32, #tpu.memory_space<vmem>>, vector<128x256xf32>
    %slice3A = vector.extract_strided_slice %get3A_1 {offsets = [0, 0], sizes = [128, 128], strides = [1, 1]} : vector<128x256xf32> to vector<128x128xf32>
    %slice3A_2 = vector.extract_strided_slice %get3A_1 {offsets = [0, 128], sizes = [128, 128], strides = [1, 1]} : vector<128x256xf32> to vector<128x128xf32>
    %add3A = arith.addf %slice3A, %slice3A_2 : vector<128x128xf32>
    %mul3A = arith.constant 2.500000e-01 : f32
    %mul3A_3 = vector.broadcast %mul3A : f32 to vector<128x128xf32>
    %mul3A_4 = arith.mulf %add3A, %mul3A_3 : vector<128x128xf32>
    %get3A_5 = arith.constant 0 : index
    %get3A_6 = arith.constant 0 : index
    %get3A_7 = vector.load %arg1[%get3A_5, %get3A_6] : memref<5120x128xf32, #tpu.memory_space<vmem>>, vector<5120x128xf32>
    %dot_general3A = arith.constant dense<0.000000e+00> : vector<5120x128xf32>
    %dot_general3A_8 = tpu.matmul %get3A_7, %mul3A_4, %dot_general3A {dimension_numbers = #tpu.dot_dimension_numbers<[1], [1], [0], [0], [0, 0, 1, 0], [], []>, transpose_lhs_hint = false} : vector<5120x128xf32>, vector<128x128xf32>, vector<5120x128xf32> -> vector<5120x128xf32>
    %get3A_9 = arith.constant 0 : index
    %get3A_10 = arith.constant 0 : index
    %get3A_11 = vector.load %arg2[%get3A_9, %get3A_10] : memref<5120x128xf32, #tpu.memory_space<vmem>>, vector<5120x128xf32>
    %add3A_12 = arith.addf %dot_general3A_8, %get3A_11 : vector<5120x128xf32>
    %swap3A = arith.constant 0 : index
    %swap3A_13 = arith.constant 0 : index
    %swap3A_14 = vector.load %arg5[%swap3A, %swap3A_13] : memref<5120x128xf32, #tpu.memory_space<vmem>>, vector<5120x128xf32>
    tpu.vector_store %arg5[%swap3A, %swap3A_13], %add3A_12 {strides = array<i32>} : memref<5120x128xf32, #tpu.memory_space<vmem>>, vector<5120x128xf32>,
    return
  }
  func.func @transform_0(%arg0: i32) -> (i32, i32) {
    %add3A = arith.constant 28 : i32
    %add3A_0 = arith.addi %add3A, %arg0 : i32
    %c0_i32 = arith.constant 0 : i32
    %c0_i32_1 = arith.constant 0 : i32
    return %add3A_0, %c0_i32 : i32, i32
  }
  func.func @transform_1(%arg0: i32) -> (i32, i32) {
    %add3A = arith.constant 28 : i32
    %add3A_0 = arith.addi %add3A, %arg0 : i32
    %c0_i32 = arith.constant 0 : i32
    %c0_i32_1 = arith.constant 0 : i32
    return %add3A_0, %c0_i32 : i32, i32
  }
  func.func @transform_2(%arg0: i32) -> (i32, i32) {
    %c0_i32 = arith.constant 0 : i32
    %c0_i32_0 = arith.constant 0 : i32
    %c0_i32_1 = arith.constant 0 : i32
    return %c0_i32, %c0_i32_0 : i32, i32
  }
  func.func @transform_4(%arg0: i32) -> (i32, i32) {
    %add3A = arith.constant 28 : i32
    %add3A_0 = arith.addi %add3A, %arg0 : i32
    %c0_i32 = arith.constant 0 : i32
    %c0_i32_1 = arith.constant 0 : i32
    return %add3A_0, %c0_i32 : i32, i32
  }
}

</mosaic_0001>

<sc_bundles>
// kernel: sc_gather_0.3.cloned.1.call-start
scs
__scs_entry_jumppad:
0x0: {  	(pc) =	sbr.rel $0x88, $3  }
0x1: {  	(tag) =	ssettag $0x0;
	lr =	simm.s32 $0x1  }
0x2: {  	[smem:$0x3F9A] =	sst lr;
	_ =	strace $0xD0000000  }
0x3: {  	_ = 	snop  }
0x4: {  	_ = 	snop  }
0x5: {  	_ = 	snop  }
0x6: {  	_ = 	snop  }
0x7: {  	_ = 	snop  }
__scs_overlays_trampoline_lowered:
0x8: {  	[smem:$0x3FA9] =	sst s0  }
0x9: {  	[smem:$0x3FAA] =	sst s1  }
0xa: {  	[smem:$0x3FAB] =	sst s2  }
0xb: {  	[smem:$0x3FAC] =	sst s3  }
0xc: {  	[smem:$0x3FAD] =	sst s4  }
0xd: {  	[smem:$0x3FAE] =	sst s5  }
0xe: {  	[smem:$0x3FAF] =	sst s6  }
0xf: {  	[smem:$0x3FB0] =	sst s7  }
0x10: {  	[smem:$0x3FB1] =	sst s8  }
0x11: {  	[smem:$0x3FB2] =	sst s9;
	s0 =	simm.s32 @!p0 $0x0  }
0x12: {  	s1 =	sld [smem:$0x3F98];
	s0 =	simm.s32 @p0 $0x1  }
0x13: {  	[smem:$0x3FB3] =	sst s0;
	s0 =	simm.s32 @!p1 $0x0  }
0x14: {  	s2 =	sld [smem:$0x3F97];
	s0 =	simm.s32 @p1 $0x1  }
0x15: {  	[smem:$0x3FB4] =	sst s0;
	s0 =	simm.s32 @!p2 $0x0  }
0x16: {  	s3 =	sld [smem:$0x3FDB];
	s0 =	simm.s32 @p2 $0x1  }
0x17: {  	s4 =	simm.s32 $0x1BF5;
	[smem:$0x3FB6] =	sst s0  }
0x18: {  	s0 =	sld [smem:$0x3F99];
	_ =	swait.ge [sflag:s4], $0x0  }
0x19: {  	s7 =	sld [smem:$0x3F9A]  }
0x1a: {  	s8 =	sadd.s32 $0xFFFFE003, lr  }
0x1b: {  	s9 =	sadd.s32 $0xFFFFFEF7, lr;
	s5 =	simm.s32 $0xFFFFFFFF;
	p2 =	slt.u32 s8, $0xFFFFF086  }
0x1c: {  	p1 =	slt.u32 s9, $0xF7A;
	s5 =	simm.s32 @!p2 $0x0  }
0x1d: {  	s5 =	simm.s32 @p1 $0x1;
	p0 =	seq.s32 s7, s2  }
0x1e: {  	s7 =	smul.u32 @!p0 $0xF7A, s2;
	p2 =	seq.s32 @!p0 s5, $0x0  }
0x1f: {  	s9 =	smul.u32 $0xF7A, s1;
	s8 =	simm.s32 @!p0 $0x1BF5;
	p2 =	por !p2, p0  }
0x20: {  	[sflag:s8] =	ssyncset.s32 @!p0 $0xFFFFF086;
	s6 =	sadd.s32 @!p0 s3, s7;
	s7 =	simm.s32 @!p0 $0x108  }
0x21: {  	s3 =	sadd.s32 s3, s9;
	s6 =	sadd.s32 @!p0 $0x88, s6;
	s7 =	simm.s32 @p2 $0x1082  }
0x22: {  	[simem:s7], [sflag:s8] =	dma.local @!p0 [hbm:s6], $0xF7A  }
0x23: {  	s9 =	sor.u32 $0xD0000000, s2;
	s6 =	simm.s32 $0x108;
	_ =	swait.ge @!p0 [sflag:s8], $0x0  }
0x24: {  	s3 =	sadd.s32 $0x88, s3;
	s6 =	simm.s32 @!p1 $0x1082;
	[sflag:s4] =	ssyncset.s32 $0xFFFFF086  }
0x25: {  	[simem:s6], [sflag:s4] =	dma.local [hbm:s3], $0xF7A  }
0x26: {  	[smem:$0x3F9A] =	sst s1;
	(tag) =	ssettag s2;
	_ =	strace s9  }
0x27: {  	s1 =	sld [smem:$0x3FAA]  }
0x28: {  	s2 =	sld [smem:$0x3FAB]  }
0x29: {  	s4 =	sld [smem:$0x3FAD]  }
0x2a: {  	p0 =	seq.s32 s5, $0x0;
	s5 =	sld [smem:$0x3FAE]  }
0x2b: {  	s6 =	sld [smem:$0x3FAF]  }
0x2c: {  	s7 =	sld [smem:$0x3FB0]  }
0x2d: {  	s3 =	simm.s32 $0x108;
	s8 =	sld [smem:$0x3FB1]  }
0x2e: {  	s3 =	simm.s32 @!p0 $0x1082;
	s9 =	sld [smem:$0x3FB2]  }
0x2f: {  	lr =	sadd.s32 s0, s3;
	s0 =	sld [smem:$0x3FA9]  }
0x30: {  	s3 =	sld [smem:$0x3FAC]  }
0x31: {  	[smem:$0x3FB5] =	sst s10  }
0x32: {  	s10 =	sld [smem:$0x3FB3];
	_ =	sdelay $0x3  }
0x33: {  	p0 =	seq.s32 s10, $0x1;
	s10 =	sld [smem:$0x3FB5];
	_ =	sdelay $0x3  }
0x34: {  	[smem:$0x3FB5] =	sst s10  }
0x35: {  	s10 =	sld [smem:$0x3FB4];
	_ =	sdelay $0x3  }
0x36: {  	p1 =	seq.s32 s10, $0x1;
	s10 =	sld [smem:$0x3FB5];
	_ =	sdelay $0x3  }
0x37: {  	[smem:$0x3FB5] =	sst s10  }
0x38: {  	s10 =	sld [smem:$0x3FB6]  }
0x39: {  	_ = 	snop;
	(pc) =	sbr.ind lr, $3  }
0x3a: {  	_ = 	snop  }
0x3b: {  	_ = 	snop  }
0x3c: {  	p2 =	seq.s32 s10, $0x1;
	s10 =	sld [smem:$0x3FB5]  }
0x3d: {  	_ =	shalt  }
0x3e: {  	_ =	shalt  }
0x3f: {  	_ =	shalt  }
0x40: {  	_ =	shalt  }
0x41: {  	_ =	shalt  }
0x42: {  	_ =	shalt  }
0x43: {  	_ =	shalt  }
0x44: {  	_ =	shalt  }
0x45: {  	_ =	shalt  }
0x46: {  	_ =	shalt  }
0x47: {  	_ =	shalt  }
0x48: {  	_ =	shalt  }
0x49: {  	_ =	shalt  }
0x4a: {  	_ =	shalt  }
0x4b: {  	_ =	shalt  }
0x4c: {  	_ =	shalt  }
0x4d: {  	_ =	shalt  }
0x4e: {  	_ =	shalt  }
0x4f: {  	_ =	shalt  }
0x50: {  	_ =	shalt  }
0x51: {  	_ =	shalt  }
0x52: {  	_ =	shalt  }
0x53: {  	_ =	shalt  }
0x54: {  	_ =	shalt  }
0x55: {  	_ =	shalt  }
0x56: {  	_ =	shalt  }
0x57: {  	_ =	shalt  }
0x58: {  	_ =	shalt  }
0x59: {  	_ =	shalt  }
0x5a: {  	_ =	shalt  }
0x5b: {  	_ =	shalt  }
0x5c: {  	_ =	shalt  }
0x5d: {  	_ =	shalt  }
0x5e: {  	_ =	shalt  }
0x5f: {  	_ =	shalt  }
0x60: {  	_ =	shalt  }
0x61: {  	_ =	shalt  }
0x62: {  	_ =	shalt  }
0x63: {  	_ =	shalt  }
0x64: {  	_ =	shalt  }
0x65: {  	_ =	shalt  }
0x66: {  	_ =	shalt  }
0x67: {  	_ =	shalt  }
0x68: {  	_ =	shalt  }
0x69: {  	_ =	shalt  }
0x6a: {  	_ =	shalt  }
0x6b: {  	_ =	shalt  }
0x6c: {  	_ =	shalt  }
0x6d: {  	_ =	shalt  }
0x6e: {  	_ =	shalt  }
0x6f: {  	_ =	shalt  }
0x70: {  	_ =	shalt  }
0x71: {  	_ =	shalt  }
0x72: {  	_ =	shalt  }
0x73: {  	_ =	shalt  }
0x74: {  	_ =	shalt  }
0x75: {  	_ =	shalt  }
0x76: {  	_ =	shalt  }
0x77: {  	_ =	shalt  }
0x78: {  	_ =	shalt  }
0x79: {  	_ =	shalt  }
0x7a: {  	_ =	shalt  }
0x7b: {  	_ =	shalt  }
0x7c: {  	_ =	shalt  }
0x7d: {  	_ =	shalt  }
0x7e: {  	_ =	shalt  }
0x7f: {  	_ =	shalt  }
0x80: {  	_ =	shalt  }
0x81: {  	_ =	shalt  }
0x82: {  	_ =	shalt  }
0x83: {  	_ =	shalt  }
0x84: {  	_ =	shalt  }
0x85: {  	_ =	shalt  }
0x86: {  	_ =	shalt  }
0x87: {  	_ =	shalt  }
.Lfunc_end0:
.L_simem_size_0:
called_computation_lowered:
.L_overlay_start_0:
0x88: {  	s2 =	sld [smem:$0x3FD9]  }
0x89: {  	s3 =	sld [smem:$0x3FFE];
	_ =	sdelay $0x1  }
0x8a: {  	s1 =	srdreg.scid  }
0x8b: {  	s0 =	sand.u32 $0x1, s1  }
0x8c: {  	s16 =	sshll.u32 s0, $0xA;
	s2 =	sadd.s32 s3, s2  }
0x8d: {  	s2 =	sadd.s32 s2, s16  }
0x8e: {  	[smem:$0x3FC1] =	sst s2  }
0x8f: {  	_ = 	snop  }
0x90: {  	(tm) =	ssettm $0x1  }
0x91: {  	s17 =	sld [smem:$0x3FFB];
	_ =	sdelay $0x3  }
0x92: {  	_ =	strace s17  }
0x93: {  	s2 =	sld [smem:$0x3FFC];
	_ =	sdelay $0x3  }
0x94: {  	_ =	strace s2  }
0x95: {  	s2 =	sld [smem:$0x3FFD];
	_ =	sdelay $0x3  }
0x96: {  	_ =	strace s2  }
0x97: {  	_ =	strace $0x8FFFFFFF  }
0x98: {  	s18 =	sld [smem:$0x3FDB];
	_ =	sdelay $0x1  }
0x99: {  	s19 =	simm.s32 $_scs_section_size  }
0x9a: {  	s4 =	simm.s32 $_size__tile_overlayer_lowered;
	s5 =	simm.s32 $_tile_overlayer_lowered  }
0x9b: {  	s22 =	simm.s32 $0x1BFF;
	s21 =	sshll.u32 s5, $0x1;
	s2 =	sadd.s32 s19, s18  }
0x9c: {  	s6 =	simm.s32 $0x0;
	s20 =	sshll.u32 s4, $0x1;
	s4 =	sadd.s32 s21, s2  }
0x9d: {  	[timem:s6], [sflag:s22] =	dma.local [hbm:s4], s20  }
0x9e: {  	_ =	swait.ge [sflag:s22], s20  }
0x9f: {  	s3 =	ssub.s32 $0x0, s20;
	[sflag:s22] =	ssyncset.done $0x0  }
0xa0: {  	[sflag:s22] =	ssyncadd.s32 s3;
	_ =	sdelay $0x1  }
0xa1: {  	s23 =	simm.s32 $0x1B8B  }
0xa2: {  	_ =	swait.ge [sflag:s23], $0x1  }
0xa3: {  	[sflag:s23] =	ssyncset.done $0x0  }
0xa4: {  	s25 =	simm.s32 $0x1B8E;
	s24 =	sld [smem:$0x3FFE];
	[sflag:s23] =	ssyncadd.s32 $0xFFFFFFFF  }
0xa5: {  	s26 =	simm.s32 $execute0_lowered;
	[smem:$0x3FD2] =	sst s25  }
0xa6: {  	s4 =	sshll.u32 s26, $0x1;
	_ =	strace $0x80000046;
	[dreg:$0x1] =	wrdreg $0xFFFFFFFF  }
0xa7: {  	s28 =	simm.s32 $_size_execute0_lowered;
	s2 =	sadd.s32 s2, s4;
	[dreg:$0x0] =	wrdreg $0x0  }
0xa8: {  	s4 =	sshll.u32 s28, $0x1;
	[dreg:$0x2] =	wrdreg s2  }
0xa9: {  	[dreg:$0x3] =	wrdreg s4  }
0xaa: {  	[dreg:$0x4] =	wrdreg $0xC0  }
0xab: {  	_ =	task [dreg:s6], $0x5FFFF  }
0xac: {  	[dreg:$0x1] =	wrdreg $0xFFFFFFFF  }
0xad: {  	[dreg:$0x0] =	wrdreg $0x60  }
0xae: {  	[dreg:$0x2] =	wrdreg s24  }
0xaf: {  	[dreg:$0x3] =	wrdreg $0x9  }
0xb0: {  	_ =	task.clear_ibuf [dreg:s6], $0x4FFFF;
	_ =	strace $0x90000046  }
0xb1: {  	s29 =	simm.s32 $0x9;
	_ =	strace $0x80000048  }
0xb2: {  	_ =	swait.ge [sflag:s29], $0x1  }
0xb3: {  	[sflag:s29] =	ssyncadd.s32 $0xFFFFFFFF  }
0xb4: {  	_ =	strace $0x90000048  }
0xb5: {  	_ =	sfence  }
0xb6: {  	s30 =	sld [smem:$0x0];
	_ =	sdelay $0x2  }
0xb7: {  	s31 =	sshll.u32 s1, $0xD;
	s1 =	sshrl.u32 s1, $0x2  }
0xb8: {  	s3 =	sand.u32 $0x4000, s31;
	s1 =	sadd.s32 s1, s30  }
0xb9: {  	s0 =	sor.u32 s3, s0;
	s1 =	sshll.u32 s1, $0x11  }
0xba: {  	s0 =	sor.u32 s1, s0  }
0xbb: {  	s0 =	sadd.s32 $0x8F2B, s0  }
0xbc: {  	[sflag:s0] =	ssyncadd.remote.s32 $0x1  }
0xbd: {  	_ =	sfence.sel $0xFFFF  }
0xbe: {  	[dreg:$0x0] =	wrdreg $0xFFFFFFFF;
	(pc) =	sbr.abs _section_cstart, $3  }
0xbf: {  	[dreg:$0x1] =	wrdreg $0xFFFFFFFF  }
0xc0: {  	_ =	task.clear_ibuf [dreg:s6], $0x2FFFF;
	_ =	strace $0x9FFFFFFF  }
0xc1: {  	(tm) =	ssettm $0x7FFFFFFF  }
tec
execute0_lowered:
.L_overlay_start_1:
0x0: {  	(tag) =	ssettag $0x1  }
0x1: {  	s1 =	srdreg.scid;
	s0 =	stileid.u32  }
0x2: {  	s6 =	sand.u32 $0x1, s1;
	s30 =	sshll.u32 s0, $0x1  }
0x3: {  	s9 =	rddreg [dreg:$0x0];
	s7 =	sor.u32 s6, s30  }
0x4: {  	s2 =	simm.s32 $0x0;
	s1 =	rddreg [dreg:$0x1];
	s3 =	smul.u32 $0x28, s7  }
0x5: {  	s4 =	simm.s32 $0x3;
	s8 =	simm.s32 $0x1;
	[smem:$0x7FF] =	sst s2  }
0x6: {  	s5 =	sadd.s32 $0x7E00, s9;
	_ =	strace $0x80000047;
	s3 =	sadd.s32 s3, s9  }
0x7: {  	s11 =	ssub.s32 $0x2, s6;
	s10 =	smul.u32 $0x1400, s7;
	s3 =	sadd.s32 $0x1A00, s3  }
0x8: {  	[tilespmem:s2], [sflag:$0x3] =	stream.linear.gather [hbm4b:s3+s2], $0x140, $0x38;
	[tilespmem:$0xA180] =	vst v63  }
0x9: {  	s6 =	simm.s32 $0x140;
	s31 =	sshrl.u32 s11, $0x1;
	_ =	swait.ge [sflag:s4], $0x140  }
0xa: {  	s9 =	sadd.s32 s10, s9;
	s10 =	ssub.s32 s11, s31;
	[sflag:s4] =	ssyncset.done $0x0  }
0xb: {  	s7 =	simm.s32 $0x180;
	s11 =	smax.u32 s10, $0x1;
	[sflag:s4] =	ssyncadd.s32 $0xFFFFFEC0  }
0xc: {  	[tilespmem:s7], [sflag:$0x1] =	stream.indirect.gather [hbm4b:s5+s6], $0x80, s2, s6, $0xb8;
	[tilespmem:$0xA180] =	vst v63  }
0xd: {  	p0 =	sne.s32 s11, $0x1;
	_ =	swait.ge [sflag:s8], $0xA000  }
.Ltmp0:
0xe: {  	[sflag:s8] =	ssyncset.done $0x0;
	(pc) =	sbr.rel @!p0 .LBB2_2-.Ltmp0, $4  }
0xf: {  	s9 =	sadd.s32 $0x18E800, s9;
	s10 =	simm.s32 $0x2;
	[sflag:s8] =	ssyncadd.s32 $0xFFFF6000  }
0x10: {  	[hbm4b:s9+s2] =	stream.linear.scatter [tilespmem:s7], [sflag:$0x2], $0xA000, $0x38;
	[tilespmem:$0xA180] =	vst v63  }
0x11: {  	_ =	swait.ge [sflag:s10], $0xA000  }
0x12: {  	s11 =	sadd.s32 $0xFFFFFFFF, s11;
	[sflag:s10] =	ssyncset.done $0x0  }
.LBB2_1:
0x13: {  	p0 =	sne.s32 s11, $0x1;
	s11 =	sadd.s32 $0xFFFFFFFF, s11;
	[sflag:s10] =	ssyncadd.s32 $0xFFFF6000  }
0x14: {  	[tilespmem:s2], [sflag:$0x3] =	stream.linear.gather [hbm4b:s3+s2], $0x140, $0x38;
	[tilespmem:$0xA180] =	vst v63  }
0x15: {  	_ =	swait.ge [sflag:s4], $0x140  }
0x16: {  	[sflag:s4] =	ssyncset.done $0x0  }
0x17: {  	[sflag:s4] =	ssyncadd.s32 $0xFFFFFEC0  }
0x18: {  	[tilespmem:s7], [sflag:$0x1] =	stream.indirect.gather [hbm4b:s5+s6], $0x80, s2, s6, $0xb8;
	[tilespmem:$0xA180] =	vst v63  }
0x19: {  	_ =	swait.ge [sflag:s8], $0xA000  }
.Ltmp1:
0x1a: {  	[sflag:s8] =	ssyncset.done $0x0;
	(pc) =	sbr.rel @p0 .LBB2_1-.Ltmp1, $4  }
0x1b: {  	[sflag:s8] =	ssyncadd.s32 $0xFFFF6000  }
0x1c: {  	[hbm4b:s9+s2] =	stream.linear.scatter [tilespmem:s7], [sflag:$0x2], $0xA000, $0x38;
	[tilespmem:$0xA180] =	vst v63  }
0x1d: {  	_ =	swait.ge [sflag:s10], $0xA000  }
0x1e: {  	[sflag:s10] =	ssyncset.done $0x0  }
.LBB2_2:
0x1f: {  	[sflag:s10] =	ssyncadd.s32 $0xFFFF6000  }
0x20: {  	_ =	sfence.sel $0x180000  }
0x21: {  	[bflag:$0x0] =	sbarrier.arrive $0xFFFF  }
0x22: {  	p0 =	sne.s32 s0, $0x0;
	_ =	strace $0x90000047  }
0x23: {  	s0 =	sadd.s32 @!p0 $0x100000, s1;
	[bflag:$0x2] =	sbarrier.arrive $0xFFFF  }
0x24: {  	[sflag:s0] =	ssyncadd.tile.s32 @!p0 $0x1;
	_ =	shalt  }
.Lfunc_end2:
_tile_overlayer_lowered:
.L_overlay_start_2:
0x25: {  	(tag) =	ssettag $0x2  }
0x26: {  	s0 =	rddreg [dreg:$0x0];
	s2 =	stileid.u32  }
0x27: {  	s1 =	rddreg [dreg:$0x1];
	p0 =	sne.s32 s2, $0x0  }
0x28: {  	s3 =	rddreg [dreg:$0x2];
	[bflag:$0x3] =	sbarrier.arrive $0xFFFF;
	s2 =	simm.s32 @!p0 $0x1C03  }
0x29: {  	[timem:s3], [sflag:s2] =	dma.local @!p0 [hbm:s0], s1  }
0x2a: {  	s0 =	simm.s32 @!p0 $0x3  }
0x2b: {  	_ =	swait.ge @!p0 [sflag:s0], s1  }
0x2c: {  	s1 =	ssub.s32 @!p0 $0x0, s1;
	[sflag:s0] =	ssyncset.done @!p0 $0x0  }
0x2d: {  	[sflag:s0] =	ssyncadd.s32 @!p0 s1  }
0x2e: {  	[bflag:$0x3] =	sbarrier.arrive $0xFFFF  }
0x2f: {  	_ =	shalt  }

// kernel: sc_gather_1.3.cloned.1.call-start
scs
__scs_entry_jumppad:
0x0: {  	(pc) =	sbr.rel $0x88, $3  }
0x1: {  	(tag) =	ssettag $0x0;
	lr =	simm.s32 $0x1  }
0x2: {  	[smem:$0x3F9A] =	sst lr;
	_ =	strace $0xD0000000  }
0x3: {  	_ = 	snop  }
0x4: {  	_ = 	snop  }
0x5: {  	_ = 	snop  }
0x6: {  	_ = 	snop  }
0x7: {  	_ = 	snop  }
__scs_overlays_trampoline_lowered:
0x8: {  	[smem:$0x3FA9] =	sst s0  }
0x9: {  	[smem:$0x3FAA] =	sst s1  }
0xa: {  	[smem:$0x3FAB] =	sst s2  }
0xb: {  	[smem:$0x3FAC] =	sst s3  }
0xc: {  	[smem:$0x3FAD] =	sst s4  }
0xd: {  	[smem:$0x3FAE] =	sst s5  }
0xe: {  	[smem:$0x3FAF] =	sst s6  }
0xf: {  	[smem:$0x3FB0] =	sst s7  }
0x10: {  	[smem:$0x3FB1] =	sst s8  }
0x11: {  	[smem:$0x3FB2] =	sst s9;
	s0 =	simm.s32 @!p0 $0x0  }
0x12: {  	s1 =	sld [smem:$0x3F98];
	s0 =	simm.s32 @p0 $0x1  }
0x13: {  	[smem:$0x3FB3] =	sst s0;
	s0 =	simm.s32 @!p1 $0x0  }
0x14: {  	s2 =	sld [smem:$0x3F97];
	s0 =	simm.s32 @p1 $0x1  }
0x15: {  	[smem:$0x3FB4] =	sst s0;
	s0 =	simm.s32 @!p2 $0x0  }
0x16: {  	s3 =	sld [smem:$0x3FDB];
	s0 =	simm.s32 @p2 $0x1  }
0x17: {  	s4 =	simm.s32 $0x1BF5;
	[smem:$0x3FB6] =	sst s0  }
0x18: {  	s0 =	sld [smem:$0x3F99];
	_ =	swait.ge [sflag:s4], $0x0  }
0x19: {  	s7 =	sld [smem:$0x3F9A]  }
0x1a: {  	s8 =	sadd.s32 $0xFFFFE003, lr  }
0x1b: {  	s9 =	sadd.s32 $0xFFFFFEF7, lr;
	s5 =	simm.s32 $0xFFFFFFFF;
	p2 =	slt.u32 s8, $0xFFFFF086  }
0x1c: {  	p1 =	slt.u32 s9, $0xF7A;
	s5 =	simm.s32 @!p2 $0x0  }
0x1d: {  	s5 =	simm.s32 @p1 $0x1;
	p0 =	seq.s32 s7, s2  }
0x1e: {  	s7 =	smul.u32 @!p0 $0xF7A, s2;
	p2 =	seq.s32 @!p0 s5, $0x0  }
0x1f: {  	s9 =	smul.u32 $0xF7A, s1;
	s8 =	simm.s32 @!p0 $0x1BF5;
	p2 =	por !p2, p0  }
0x20: {  	[sflag:s8] =	ssyncset.s32 @!p0 $0xFFFFF086;
	s6 =	sadd.s32 @!p0 s3, s7;
	s7 =	simm.s32 @!p0 $0x108  }
0x21: {  	s3 =	sadd.s32 s3, s9;
	s6 =	sadd.s32 @!p0 $0x88, s6;
	s7 =	simm.s32 @p2 $0x1082  }
0x22: {  	[simem:s7], [sflag:s8] =	dma.local @!p0 [hbm:s6], $0xF7A  }
0x23: {  	s9 =	sor.u32 $0xD0000000, s2;
	s6 =	simm.s32 $0x108;
	_ =	swait.ge @!p0 [sflag:s8], $0x0  }
0x24: {  	s3 =	sadd.s32 $0x88, s3;
	s6 =	simm.s32 @!p1 $0x1082;
	[sflag:s4] =	ssyncset.s32 $0xFFFFF086  }
0x25: {  	[simem:s6], [sflag:s4] =	dma.local [hbm:s3], $0xF7A  }
0x26: {  	[smem:$0x3F9A] =	sst s1;
	(tag) =	ssettag s2;
	_ =	strace s9  }
0x27: {  	s1 =	sld [smem:$0x3FAA]  }
0x28: {  	s2 =	sld [smem:$0x3FAB]  }
0x29: {  	s4 =	sld [smem:$0x3FAD]  }
0x2a: {  	p0 =	seq.s32 s5, $0x0;
	s5 =	sld [smem:$0x3FAE]  }
0x2b: {  	s6 =	sld [smem:$0x3FAF]  }
0x2c: {  	s7 =	sld [smem:$0x3FB0]  }
0x2d: {  	s3 =	simm.s32 $0x108;
	s8 =	sld [smem:$0x3FB1]  }
0x2e: {  	s3 =	simm.s32 @!p0 $0x1082;
	s9 =	sld [smem:$0x3FB2]  }
0x2f: {  	lr =	sadd.s32 s0, s3;
	s0 =	sld [smem:$0x3FA9]  }
0x30: {  	s3 =	sld [smem:$0x3FAC]  }
0x31: {  	[smem:$0x3FB5] =	sst s10  }
0x32: {  	s10 =	sld [smem:$0x3FB3];
	_ =	sdelay $0x3  }
0x33: {  	p0 =	seq.s32 s10, $0x1;
	s10 =	sld [smem:$0x3FB5];
	_ =	sdelay $0x3  }
0x34: {  	[smem:$0x3FB5] =	sst s10  }
0x35: {  	s10 =	sld [smem:$0x3FB4];
	_ =	sdelay $0x3  }
0x36: {  	p1 =	seq.s32 s10, $0x1;
	s10 =	sld [smem:$0x3FB5];
	_ =	sdelay $0x3  }
0x37: {  	[smem:$0x3FB5] =	sst s10  }
0x38: {  	s10 =	sld [smem:$0x3FB6]  }
0x39: {  	_ = 	snop;
	(pc) =	sbr.ind lr, $3  }
0x3a: {  	_ = 	snop  }
0x3b: {  	_ = 	snop  }
0x3c: {  	p2 =	seq.s32 s10, $0x1;
	s10 =	sld [smem:$0x3FB5]  }
0x3d: {  	_ =	shalt  }
0x3e: {  	_ =	shalt  }
0x3f: {  	_ =	shalt  }
0x40: {  	_ =	shalt  }
0x41: {  	_ =	shalt  }
0x42: {  	_ =	shalt  }
0x43: {  	_ =	shalt  }
0x44: {  	_ =	shalt  }
0x45: {  	_ =	shalt  }
0x46: {  	_ =	shalt  }
0x47: {  	_ =	shalt  }
0x48: {  	_ =	shalt  }
0x49: {  	_ =	shalt  }
0x4a: {  	_ =	shalt  }
0x4b: {  	_ =	shalt  }
0x4c: {  	_ =	shalt  }
0x4d: {  	_ =	shalt  }
0x4e: {  	_ =	shalt  }
0x4f: {  	_ =	shalt  }
0x50: {  	_ =	shalt  }
0x51: {  	_ =	shalt  }
0x52: {  	_ =	shalt  }
0x53: {  	_ =	shalt  }
0x54: {  	_ =	shalt  }
0x55: {  	_ =	shalt  }
0x56: {  	_ =	shalt  }
0x57: {  	_ =	shalt  }
0x58: {  	_ =	shalt  }
0x59: {  	_ =	shalt  }
0x5a: {  	_ =	shalt  }
0x5b: {  	_ =	shalt  }
0x5c: {  	_ =	shalt  }
0x5d: {  	_ =	shalt  }
0x5e: {  	_ =	shalt  }
0x5f: {  	_ =	shalt  }
0x60: {  	_ =	shalt  }
0x61: {  	_ =	shalt  }
0x62: {  	_ =	shalt  }
0x63: {  	_ =	shalt  }
0x64: {  	_ =	shalt  }
0x65: {  	_ =	shalt  }
0x66: {  	_ =	shalt  }
0x67: {  	_ =	shalt  }
0x68: {  	_ =	shalt  }
0x69: {  	_ =	shalt  }
0x6a: {  	_ =	shalt  }
0x6b: {  	_ =	shalt  }
0x6c: {  	_ =	shalt  }
0x6d: {  	_ =	shalt  }
0x6e: {  	_ =	shalt  }
0x6f: {  	_ =	shalt  }
0x70: {  	_ =	shalt  }
0x71: {  	_ =	shalt  }
0x72: {  	_ =	shalt  }
0x73: {  	_ =	shalt  }
0x74: {  	_ =	shalt  }
0x75: {  	_ =	shalt  }
0x76: {  	_ =	shalt  }
0x77: {  	_ =	shalt  }
0x78: {  	_ =	shalt  }
0x79: {  	_ =	shalt  }
0x7a: {  	_ =	shalt  }
0x7b: {  	_ =	shalt  }
0x7c: {  	_ =	shalt  }
0x7d: {  	_ =	shalt  }
0x7e: {  	_ =	shalt  }
0x7f: {  	_ =	shalt  }
0x80: {  	_ =	shalt  }
0x81: {  	_ =	shalt  }
0x82: {  	_ =	shalt  }
0x83: {  	_ =	shalt  }
0x84: {  	_ =	shalt  }
0x85: {  	_ =	shalt  }
0x86: {  	_ =	shalt  }
0x87: {  	_ =	shalt  }
.Lfunc_end0:
.L_simem_size_0:
called_computation.1_lowered:
.L_overlay_start_0:
0x88: {  	s2 =	sld [smem:$0x3FD9]  }
0x89: {  	s3 =	sld [smem:$0x3FFE];
	_ =	sdelay $0x1  }
0x8a: {  	s1 =	srdreg.scid  }
0x8b: {  	s0 =	sand.u32 $0x1, s1  }
0x8c: {  	s17 =	sshll.u32 s0, $0xA;
	s2 =	sadd.s32 s3, s2  }
0x8d: {  	s2 =	sadd.s32 s2, s17  }
0x8e: {  	[smem:$0x3FC1] =	sst s2  }
0x8f: {  	_ = 	snop  }
0x90: {  	(tm) =	ssettm $0x1  }
0x91: {  	s18 =	sld [smem:$0x3FFB];
	_ =	sdelay $0x3  }
0x92: {  	_ =	strace s18  }
0x93: {  	s2 =	sld [smem:$0x3FFC];
	_ =	sdelay $0x3  }
0x94: {  	_ =	strace s2  }
0x95: {  	s2 =	sld [smem:$0x3FFD];
	_ =	sdelay $0x3  }
0x96: {  	_ =	strace s2  }
0x97: {  	_ =	strace $0x8FFFFFFF  }
0x98: {  	s19 =	sld [smem:$0x3FDB];
	_ =	sdelay $0x1  }
0x99: {  	s20 =	simm.s32 $_scs_section_size  }
0x9a: {  	s4 =	simm.s32 $_size__tile_overlayer_lowered;
	s5 =	simm.s32 $_tile_overlayer_lowered  }
0x9b: {  	s6 =	simm.s32 $0x1BFF;
	s21 =	sshll.u32 s5, $0x1;
	s3 =	sadd.s32 s20, s19  }
0x9c: {  	s22 =	simm.s32 $0x0;
	s4 =	sshll.u32 s4, $0x1;
	s5 =	sadd.s32 s21, s3  }
0x9d: {  	[timem:s22], [sflag:s6] =	dma.local [hbm:s5], s4  }
0x9e: {  	_ =	swait.ge [sflag:s6], s4  }
0x9f: {  	s4 =	ssub.s32 $0x0, s4;
	[sflag:s6] =	ssyncset.done $0x0  }
0xa0: {  	[sflag:s6] =	ssyncadd.s32 s4;
	_ =	sdelay $0x1  }
0xa1: {  	s23 =	simm.s32 $0x1B8B  }
0xa2: {  	_ =	swait.ge [sflag:s23], $0x1  }
0xa3: {  	[sflag:s23] =	ssyncset.done $0x0  }
0xa4: {  	[sflag:s23] =	ssyncadd.s32 $0xFFFFFFFF  }
0xa5: {  	s4 =	sld [smem:$0x0]  }
0xa6: {  	s5 =	sand.u32 $0xFFFFFFFE, s1  }
0xa7: {  	p0 =	sne.s32 s1, s5  }
0xa8: {  	s5 =	sshll.u32 @p0 s5, $0xE  }
0xa9: {  	s5 =	sadd.s32 @p0 $0x11B8D, s5;
	s6 =	sshll.u32 @p0 s4, $0x11  }
0xaa: {  	s5 =	sor.u32 @p0 s6, s5  }
0xab: {  	[sflag:s5] =	ssyncadd.remote.s32 @p0 $0x1;
	_ =	sdelay $0x1  }
0xac: {  	s5 =	simm.s32 @p0 $0x1B8D  }
0xad: {  	_ =	swait.eq @p0 [sflag:s5], $0x1  }
0xae: {  	[sflag:s5] =	ssyncadd.s32 @p0 $0xFFFFFFFF  }
0xaf: {  	s6 =	sshll.u32 @!p0 s1, $0xE  }
0xb0: {  	s6 =	sor.u32 @!p0 $0x4000, s6;
	s5 =	simm.s32 @!p0 $0x1B8D  }
0xb1: {  	s4 =	sshll.u32 @!p0 s4, $0x11;
	s6 =	sadd.s32 @!p0 $0x11B8D, s6;
	_ =	swait.eq @!p0 [sflag:s5], $0x1  }
0xb2: {  	s4 =	sor.u32 @!p0 s4, s6;
	[sflag:s5] =	ssyncadd.s32 @!p0 $0xFFFFFFFF  }
0xb3: {  	s25 =	simm.s32 $0x1B8E;
	s24 =	sld [smem:$0x3FFE];
	[sflag:s4] =	ssyncadd.remote.s32 @!p0 $0x1  }
0xb4: {  	s26 =	simm.s32 $execute0_lowered;
	[smem:$0x3FD2] =	sst s25  }
0xb5: {  	s5 =	sshll.u32 s26, $0x1;
	_ =	strace $0x80000049;
	[dreg:$0x1] =	wrdreg $0xFFFFFFFF  }
0xb6: {  	s28 =	simm.s32 $_size_execute0_lowered;
	s3 =	sadd.s32 s3, s5;
	[dreg:$0x0] =	wrdreg $0x0  }
0xb7: {  	s5 =	sshll.u32 s28, $0x1;
	[dreg:$0x2] =	wrdreg s3  }
0xb8: {  	[dreg:$0x3] =	wrdreg s5  }
0xb9: {  	[dreg:$0x4] =	wrdreg $0xC0  }
0xba: {  	_ =	task [dreg:s22], $0x5FFFF  }
0xbb: {  	[dreg:$0x1] =	wrdreg $0xFFFFFFFF  }
0xbc: {  	[dreg:$0x0] =	wrdreg $0x60  }
0xbd: {  	[dreg:$0x2] =	wrdreg s24  }
0xbe: {  	[dreg:$0x3] =	wrdreg $0xA  }
0xbf: {  	_ =	task.clear_ibuf [dreg:s22], $0x4FFFF;
	_ =	strace $0x90000049  }
0xc0: {  	s29 =	simm.s32 $0xA;
	_ =	strace $0x8000004B  }
0xc1: {  	_ =	swait.ge [sflag:s29], $0x1  }
0xc2: {  	[sflag:s29] =	ssyncadd.s32 $0xFFFFFFFF  }
0xc3: {  	_ =	strace $0x9000004B  }
0xc4: {  	_ =	sfence  }
0xc5: {  	s30 =	sld [smem:$0x0];
	_ =	sdelay $0x2  }
0xc6: {  	s31 =	sshll.u32 s1, $0xD;
	s1 =	sshrl.u32 s1, $0x2  }
0xc7: {  	s4 =	sand.u32 $0x4000, s31;
	s1 =	sadd.s32 s1, s30  }
0xc8: {  	s0 =	sor.u32 s4, s0;
	s1 =	sshll.u32 s1, $0x11  }
0xc9: {  	s0 =	sor.u32 s1, s0  }
0xca: {  	s0 =	sadd.s32 $0x8F2B, s0  }
0xcb: {  	[sflag:s0] =	ssyncadd.remote.s32 $0x1  }
0xcc: {  	_ =	sfence.sel $0xFFFF  }
0xcd: {  	[dreg:$0x0] =	wrdreg $0xFFFFFFFF;
	(pc) =	sbr.abs _section_cstart, $3  }
0xce: {  	[dreg:$0x1] =	wrdreg $0xFFFFFFFF  }
0xcf: {  	_ =	task.clear_ibuf [dreg:s22], $0x2FFFF;
	_ =	strace $0x9FFFFFFF  }
0xd0: {  	(tm) =	ssettm $0x7FFFFFFF  }
0xd1: {  	_ =	shalt  }
tec
execute0_lowered:
.L_overlay_start_1:
0x0: {  	(tag) =	ssettag $0x1  }
0x1: {  	s1 =	srdreg.scid;
	s0 =	stileid.u32  }
0x2: {  	s12 =	sand.u32 $0x1, s1;
	s29 =	sshll.u32 s0, $0x1  }
0x3: {  	s11 =	sor.u32 s12, s29  }
0x4: {  	s1 =	smul.u32 $0x280, s11;
	_ =	sdelay $0x1  }
0x5: {  	s10 =	sadd.s32 $0x2800, s1  }
0x6: {  	s9 =	rddreg [dreg:$0x0];
	s2 =	simm.s32 $0x0;
	s3 =	sshrl.u32 s10, $0x3  }
0x7: {  	s4 =	simm.s32 $0x5;
	[smem:$0x7FF] =	sst s2;
	s3 =	sadd.s32 s3, s9  }
0x8: {  	s1 =	rddreg [dreg:$0x1];
	_ =	strace $0x8000004A;
	s3 =	sadd.s32 $0x1A00, s3  }
0x9: {  	[tilespmem:s2], [sflag:$0x5] =	stream.linear.gather [hbm4b:s3+s2], $0x280, $0x38;
	[tilespmem:$0x14280] =	vst v63  }
0xa: {  	_ =	swait.ge [sflag:s4], $0x280  }
0xb: {  	s6 =	simm.s32 $0x140;
	s7 =	simm.s32 $0x280;
	[sflag:s4] =	ssyncset.done $0x0  }
0xc: {  	s8 =	simm.s32 $0x1;
	s5 =	sadd.s32 $0x7E00, s9;
	[sflag:s4] =	ssyncadd.s32 $0xFFFFFD80  }
0xd: {  	[tilespmem:s7], [sflag:$0x1] =	stream.indirect.gather [hbm4b:s5+s6], $0x80, s2, s6, $0xb8;
	[tilespmem:$0x14280] =	vst v63  }
0xe: {  	s13 =	sadd.s32 $0x4AE800, s9;
	s15 =	ssub.s32 $0x2, s12;
	_ =	swait.ge [sflag:s8], $0xA000  }
0xf: {  	s14 =	smul.u32 $0x14000, s11;
	s11 =	simm.s32 $0x2;
	[sflag:s8] =	ssyncset.done $0x0  }
0x10: {  	s10 =	sshll.u32 s10, $0x4;
	s9 =	simm.s32 $0xA280;
	[sflag:s8] =	ssyncadd.s32 $0xFFFF6000  }
0x11: {  	[tilespmem:s9], [sflag:$0x2] =	stream.indirect.gather [hbm4b:s5+s6], $0x80, s6, s6, $0xb8;
	[tilespmem:$0x14280] =	vst v63  }
0x12: {  	s31 =	sshrl.u32 s15, $0x1;
	s14 =	sshrl.u32 s14, $0x3;
	s10 =	sadd.s32 s13, s10  }
0x13: {  	[hbm4b:s10+s2] =	stream.linear.scatter [tilespmem:s7], [sflag:$0x3], $0xA000, $0x38;
	[tilespmem:$0x14280] =	vst v63  }
0x14: {  	s30 =	sadd.s32 s13, s14;
	s14 =	ssub.s32 s15, s31;
	_ =	swait.ge [sflag:s11], $0xA000  }
0x15: {  	s12 =	sadd.s32 $0x29400, s30;
	s15 =	smax.u32 s14, $0x1;
	[sflag:s11] =	ssyncset.done $0x0  }
0x16: {  	s13 =	simm.s32 $0x3;
	p0 =	sne.s32 s15, $0x1;
	[sflag:s11] =	ssyncadd.s32 $0xFFFF6000  }
0x17: {  	[hbm4b:s12+s2] =	stream.linear.scatter [tilespmem:s9], [sflag:$0x4], $0xA000, $0x38;
	[tilespmem:$0x14280] =	vst v63  }
.Ltmp0:
0x18: {  	_ =	swait.ge [sflag:s13], $0xA000;
	(pc) =	sbr.rel @!p0 .LBB2_2-.Ltmp0, $4  }
0x19: {  	[sflag:s13] =	ssyncset.done $0x0  }
0x1a: {  	s14 =	simm.s32 $0x4;
	[sflag:s13] =	ssyncadd.s32 $0xFFFF6000  }
0x1b: {  	_ =	swait.ge [sflag:s14], $0xA000  }
0x1c: {  	s15 =	sadd.s32 $0xFFFFFFFF, s15;
	[sflag:s14] =	ssyncset.done $0x0  }
.LBB2_1:
0x1d: {  	p0 =	sne.s32 s15, $0x1;
	s15 =	sadd.s32 $0xFFFFFFFF, s15;
	[sflag:s14] =	ssyncadd.s32 $0xFFFF6000  }
0x1e: {  	[tilespmem:s2], [sflag:$0x5] =	stream.linear.gather [hbm4b:s3+s2], $0x280, $0x38;
	[tilespmem:$0x14280] =	vst v63  }
0x1f: {  	_ =	swait.ge [sflag:s4], $0x280  }
0x20: {  	[sflag:s4] =	ssyncset.done $0x0  }
0x21: {  	[sflag:s4] =	ssyncadd.s32 $0xFFFFFD80  }
0x22: {  	[tilespmem:s7], [sflag:$0x1] =	stream.indirect.gather [hbm4b:s5+s6], $0x80, s2, s6, $0xb8;
	[tilespmem:$0x14280] =	vst v63  }
0x23: {  	_ =	swait.ge [sflag:s8], $0xA000  }
0x24: {  	[sflag:s8] =	ssyncset.done $0x0  }
0x25: {  	[sflag:s8] =	ssyncadd.s32 $0xFFFF6000  }
0x26: {  	[tilespmem:s9], [sflag:$0x2] =	stream.indirect.gather [hbm4b:s5+s6], $0x80, s6, s6, $0xb8;
	[tilespmem:$0x14280] =	vst v63  }
0x27: {  	_ = 	snop  }
0x28: {  	[hbm4b:s10+s2] =	stream.linear.scatter [tilespmem:s7], [sflag:$0x3], $0xA000, $0x38;
	[tilespmem:$0x14280] =	vst v63  }
0x29: {  	_ =	swait.ge [sflag:s11], $0xA000  }
0x2a: {  	[sflag:s11] =	ssyncset.done $0x0  }
0x2b: {  	[sflag:s11] =	ssyncadd.s32 $0xFFFF6000  }
0x2c: {  	[hbm4b:s12+s2] =	stream.linear.scatter [tilespmem:s9], [sflag:$0x4], $0xA000, $0x38;
	[tilespmem:$0x14280] =	vst v63  }
.Ltmp1:
0x2d: {  	_ =	swait.ge [sflag:s13], $0xA000;
	(pc) =	sbr.rel @p0 .LBB2_1-.Ltmp1, $4  }
0x2e: {  	[sflag:s13] =	ssyncset.done $0x0  }
0x2f: {  	[sflag:s13] =	ssyncadd.s32 $0xFFFF6000  }
0x30: {  	_ =	swait.ge [sflag:s14], $0xA000  }
0x31: {  	[sflag:s14] =	ssyncset.done $0x0  }
.LBB2_2:
0x32: {  	[sflag:s14] =	ssyncadd.s32 $0xFFFF6000  }
0x33: {  	_ =	sfence.sel $0x180000  }
0x34: {  	[bflag:$0x0] =	sbarrier.arrive $0xFFFF  }
0x35: {  	p0 =	sne.s32 s0, $0x0;
	_ =	strace $0x9000004A  }
0x36: {  	s0 =	sadd.s32 @!p0 $0x100000, s1;
	[bflag:$0x2] =	sbarrier.arrive $0xFFFF  }
0x37: {  	[sflag:s0] =	ssyncadd.tile.s32 @!p0 $0x1;
	_ =	shalt  }
.Lfunc_end2:
_tile_overlayer_lowered:
.L_overlay_start_2:
0x38: {  	(tag) =	ssettag $0x2  }
0x39: {  	s0 =	rddreg [dreg:$0x0];
	s2 =	stileid.u32  }
0x3a: {  	s1 =	rddreg [dreg:$0x1];
	p0 =	sne.s32 s2, $0x0  }
0x3b: {  	s3 =	rddreg [dreg:$0x2];
	[bflag:$0x3] =	sbarrier.arrive $0xFFFF;
	s2 =	simm.s32 @!p0 $0x1C05  }
0x3c: {  	[timem:s3], [sflag:s2] =	dma.local @!p0 [hbm:s0], s1  }
0x3d: {  	s0 =	simm.s32 @!p0 $0x5  }
0x3e: {  	_ =	swait.ge @!p0 [sflag:s0], s1  }
0x3f: {  	s1 =	ssub.s32 @!p0 $0x0, s1;
	[sflag:s0] =	ssyncset.done @!p0 $0x0  }
0x40: {  	[sflag:s0] =	ssyncadd.s32 @!p0 s1  }
0x41: {  	[bflag:$0x3] =	sbarrier.arrive $0xFFFF  }
0x42: {  	_ =	shalt  }

// kernel: sc_gather_14.3.cloned.1.call-start
scs
__scs_entry_jumppad:
0x0: {  	(pc) =	sbr.rel $0x88, $3  }
0x1: {  	(tag) =	ssettag $0x0;
	lr =	simm.s32 $0x1  }
0x2: {  	[smem:$0x3F9A] =	sst lr;
	_ =	strace $0xD0000000  }
0x3: {  	_ = 	snop  }
0x4: {  	_ = 	snop  }
0x5: {  	_ = 	snop  }
0x6: {  	_ = 	snop  }
0x7: {  	_ = 	snop  }
__scs_overlays_trampoline_lowered:
0x8: {  	[smem:$0x3FA9] =	sst s0  }
0x9: {  	[smem:$0x3FAA] =	sst s1  }
0xa: {  	[smem:$0x3FAB] =	sst s2  }
0xb: {  	[smem:$0x3FAC] =	sst s3  }
0xc: {  	[smem:$0x3FAD] =	sst s4  }
0xd: {  	[smem:$0x3FAE] =	sst s5  }
0xe: {  	[smem:$0x3FAF] =	sst s6  }
0xf: {  	[smem:$0x3FB0] =	sst s7  }
0x10: {  	[smem:$0x3FB1] =	sst s8  }
0x11: {  	[smem:$0x3FB2] =	sst s9;
	s0 =	simm.s32 @!p0 $0x0  }
0x12: {  	s1 =	sld [smem:$0x3F98];
	s0 =	simm.s32 @p0 $0x1  }
0x13: {  	[smem:$0x3FB3] =	sst s0;
	s0 =	simm.s32 @!p1 $0x0  }
0x14: {  	s2 =	sld [smem:$0x3F97];
	s0 =	simm.s32 @p1 $0x1  }
0x15: {  	[smem:$0x3FB4] =	sst s0;
	s0 =	simm.s32 @!p2 $0x0  }
0x16: {  	s3 =	sld [smem:$0x3FDB];
	s0 =	simm.s32 @p2 $0x1  }
0x17: {  	s4 =	simm.s32 $0x1BF5;
	[smem:$0x3FB6] =	sst s0  }
0x18: {  	s0 =	sld [smem:$0x3F99];
	_ =	swait.ge [sflag:s4], $0x0  }
0x19: {  	s7 =	sld [smem:$0x3F9A]  }
0x1a: {  	s8 =	sadd.s32 $0xFFFFE003, lr  }
0x1b: {  	s9 =	sadd.s32 $0xFFFFFEF7, lr;
	s5 =	simm.s32 $0xFFFFFFFF;
	p2 =	slt.u32 s8, $0xFFFFF086  }
0x1c: {  	p1 =	slt.u32 s9, $0xF7A;
	s5 =	simm.s32 @!p2 $0x0  }
0x1d: {  	s5 =	simm.s32 @p1 $0x1;
	p0 =	seq.s32 s7, s2  }
0x1e: {  	s7 =	smul.u32 @!p0 $0xF7A, s2;
	p2 =	seq.s32 @!p0 s5, $0x0  }
0x1f: {  	s9 =	smul.u32 $0xF7A, s1;
	s8 =	simm.s32 @!p0 $0x1BF5;
	p2 =	por !p2, p0  }
0x20: {  	[sflag:s8] =	ssyncset.s32 @!p0 $0xFFFFF086;
	s6 =	sadd.s32 @!p0 s3, s7;
	s7 =	simm.s32 @!p0 $0x108  }
0x21: {  	s3 =	sadd.s32 s3, s9;
	s6 =	sadd.s32 @!p0 $0x88, s6;
	s7 =	simm.s32 @p2 $0x1082  }
0x22: {  	[simem:s7], [sflag:s8] =	dma.local @!p0 [hbm:s6], $0xF7A  }
0x23: {  	s9 =	sor.u32 $0xD0000000, s2;
	s6 =	simm.s32 $0x108;
	_ =	swait.ge @!p0 [sflag:s8], $0x0  }
0x24: {  	s3 =	sadd.s32 $0x88, s3;
	s6 =	simm.s32 @!p1 $0x1082;
	[sflag:s4] =	ssyncset.s32 $0xFFFFF086  }
0x25: {  	[simem:s6], [sflag:s4] =	dma.local [hbm:s3], $0xF7A  }
0x26: {  	[smem:$0x3F9A] =	sst s1;
	(tag) =	ssettag s2;
	_ =	strace s9  }
0x27: {  	s1 =	sld [smem:$0x3FAA]  }
0x28: {  	s2 =	sld [smem:$0x3FAB]  }
0x29: {  	s4 =	sld [smem:$0x3FAD]  }
0x2a: {  	p0 =	seq.s32 s5, $0x0;
	s5 =	sld [smem:$0x3FAE]  }
0x2b: {  	s6 =	sld [smem:$0x3FAF]  }
0x2c: {  	s7 =	sld [smem:$0x3FB0]  }
0x2d: {  	s3 =	simm.s32 $0x108;
	s8 =	sld [smem:$0x3FB1]  }
0x2e: {  	s3 =	simm.s32 @!p0 $0x1082;
	s9 =	sld [smem:$0x3FB2]  }
0x2f: {  	lr =	sadd.s32 s0, s3;
	s0 =	sld [smem:$0x3FA9]  }
0x30: {  	s3 =	sld [smem:$0x3FAC]  }
0x31: {  	[smem:$0x3FB5] =	sst s10  }
0x32: {  	s10 =	sld [smem:$0x3FB3];
	_ =	sdelay $0x3  }
0x33: {  	p0 =	seq.s32 s10, $0x1;
	s10 =	sld [smem:$0x3FB5];
	_ =	sdelay $0x3  }
0x34: {  	[smem:$0x3FB5] =	sst s10  }
0x35: {  	s10 =	sld [smem:$0x3FB4];
	_ =	sdelay $0x3  }
0x36: {  	p1 =	seq.s32 s10, $0x1;
	s10 =	sld [smem:$0x3FB5];
	_ =	sdelay $0x3  }
0x37: {  	[smem:$0x3FB5] =	sst s10  }
0x38: {  	s10 =	sld [smem:$0x3FB6]  }
0x39: {  	_ = 	snop;
	(pc) =	sbr.ind lr, $3  }
0x3a: {  	_ = 	snop  }
0x3b: {  	_ = 	snop  }
0x3c: {  	p2 =	seq.s32 s10, $0x1;
	s10 =	sld [smem:$0x3FB5]  }
0x3d: {  	_ =	shalt  }
0x3e: {  	_ =	shalt  }
0x3f: {  	_ =	shalt  }
0x40: {  	_ =	shalt  }
0x41: {  	_ =	shalt  }
0x42: {  	_ =	shalt  }
0x43: {  	_ =	shalt  }
0x44: {  	_ =	shalt  }
0x45: {  	_ =	shalt  }
0x46: {  	_ =	shalt  }
0x47: {  	_ =	shalt  }
0x48: {  	_ =	shalt  }
0x49: {  	_ =	shalt  }
0x4a: {  	_ =	shalt  }
0x4b: {  	_ =	shalt  }
0x4c: {  	_ =	shalt  }
0x4d: {  	_ =	shalt  }
0x4e: {  	_ =	shalt  }
0x4f: {  	_ =	shalt  }
0x50: {  	_ =	shalt  }
0x51: {  	_ =	shalt  }
0x52: {  	_ =	shalt  }
0x53: {  	_ =	shalt  }
0x54: {  	_ =	shalt  }
0x55: {  	_ =	shalt  }
0x56: {  	_ =	shalt  }
0x57: {  	_ =	shalt  }
0x58: {  	_ =	shalt  }
0x59: {  	_ =	shalt  }
0x5a: {  	_ =	shalt  }
0x5b: {  	_ =	shalt  }
0x5c: {  	_ =	shalt  }
0x5d: {  	_ =	shalt  }
0x5e: {  	_ =	shalt  }
0x5f: {  	_ =	shalt  }
0x60: {  	_ =	shalt  }
0x61: {  	_ =	shalt  }
0x62: {  	_ =	shalt  }
0x63: {  	_ =	shalt  }
0x64: {  	_ =	shalt  }
0x65: {  	_ =	shalt  }
0x66: {  	_ =	shalt  }
0x67: {  	_ =	shalt  }
0x68: {  	_ =	shalt  }
0x69: {  	_ =	shalt  }
0x6a: {  	_ =	shalt  }
0x6b: {  	_ =	shalt  }
0x6c: {  	_ =	shalt  }
0x6d: {  	_ =	shalt  }
0x6e: {  	_ =	shalt  }
0x6f: {  	_ =	shalt  }
0x70: {  	_ =	shalt  }
0x71: {  	_ =	shalt  }
0x72: {  	_ =	shalt  }
0x73: {  	_ =	shalt  }
0x74: {  	_ =	shalt  }
0x75: {  	_ =	shalt  }
0x76: {  	_ =	shalt  }
0x77: {  	_ =	shalt  }
0x78: {  	_ =	shalt  }
0x79: {  	_ =	shalt  }
0x7a: {  	_ =	shalt  }
0x7b: {  	_ =	shalt  }
0x7c: {  	_ =	shalt  }
0x7d: {  	_ =	shalt  }
0x7e: {  	_ =	shalt  }
0x7f: {  	_ =	shalt  }
0x80: {  	_ =	shalt  }
0x81: {  	_ =	shalt  }
0x82: {  	_ =	shalt  }
0x83: {  	_ =	shalt  }
0x84: {  	_ =	shalt  }
0x85: {  	_ =	shalt  }
0x86: {  	_ =	shalt  }
0x87: {  	_ =	shalt  }
.Lfunc_end0:
.L_simem_size_0:
called_computation.4_lowered:
.L_overlay_start_0:
0x88: {  	s2 =	sld [smem:$0x3FD9]  }
0x89: {  	s3 =	sld [smem:$0x3FFE];
	_ =	sdelay $0x1  }
0x8a: {  	s1 =	srdreg.scid  }
0x8b: {  	s0 =	sand.u32 $0x1, s1  }
0x8c: {  	s17 =	sshll.u32 s0, $0xA;
	s2 =	sadd.s32 s3, s2  }
0x8d: {  	s2 =	sadd.s32 s2, s17  }
0x8e: {  	[smem:$0x3FC1] =	sst s2  }
0x8f: {  	_ = 	snop  }
0x90: {  	(tm) =	ssettm $0x1  }
0x91: {  	s18 =	sld [smem:$0x3FFB];
	_ =	sdelay $0x3  }
0x92: {  	_ =	strace s18  }
0x93: {  	s2 =	sld [smem:$0x3FFC];
	_ =	sdelay $0x3  }
0x94: {  	_ =	strace s2  }
0x95: {  	s2 =	sld [smem:$0x3FFD];
	_ =	sdelay $0x3  }
0x96: {  	_ =	strace s2  }
0x97: {  	_ =	strace $0x8FFFFFFF  }
0x98: {  	s19 =	sld [smem:$0x3FDB];
	_ =	sdelay $0x1  }
0x99: {  	s20 =	simm.s32 $_scs_section_size  }
0x9a: {  	s4 =	simm.s32 $_size__tile_overlayer_lowered;
	s5 =	simm.s32 $_tile_overlayer_lowered  }
0x9b: {  	s6 =	simm.s32 $0x1BFF;
	s21 =	sshll.u32 s5, $0x1;
	s3 =	sadd.s32 s20, s19  }
0x9c: {  	s22 =	simm.s32 $0x0;
	s4 =	sshll.u32 s4, $0x1;
	s5 =	sadd.s32 s21, s3  }
0x9d: {  	[timem:s22], [sflag:s6] =	dma.local [hbm:s5], s4  }
0x9e: {  	_ =	swait.ge [sflag:s6], s4  }
0x9f: {  	s4 =	ssub.s32 $0x0, s4;
	[sflag:s6] =	ssyncset.done $0x0  }
0xa0: {  	[sflag:s6] =	ssyncadd.s32 s4;
	_ =	sdelay $0x1  }
0xa1: {  	s23 =	simm.s32 $0x1B8B  }
0xa2: {  	_ =	swait.ge [sflag:s23], $0x1  }
0xa3: {  	[sflag:s23] =	ssyncset.done $0x0  }
0xa4: {  	[sflag:s23] =	ssyncadd.s32 $0xFFFFFFFF  }
0xa5: {  	s4 =	sld [smem:$0x0]  }
0xa6: {  	s5 =	sand.u32 $0xFFFFFFFE, s1  }
0xa7: {  	p0 =	sne.s32 s1, s5  }
0xa8: {  	s5 =	sshll.u32 @p0 s5, $0xE  }
0xa9: {  	s5 =	sadd.s32 @p0 $0x11B8D, s5;
	s6 =	sshll.u32 @p0 s4, $0x11  }
0xaa: {  	s5 =	sor.u32 @p0 s6, s5  }
0xab: {  	[sflag:s5] =	ssyncadd.remote.s32 @p0 $0x1;
	_ =	sdelay $0x1  }
0xac: {  	s5 =	simm.s32 @p0 $0x1B8D  }
0xad: {  	_ =	swait.eq @p0 [sflag:s5], $0x1  }
0xae: {  	[sflag:s5] =	ssyncadd.s32 @p0 $0xFFFFFFFF  }
0xaf: {  	s6 =	sshll.u32 @!p0 s1, $0xE  }
0xb0: {  	s6 =	sor.u32 @!p0 $0x4000, s6;
	s5 =	simm.s32 @!p0 $0x1B8D  }
0xb1: {  	s4 =	sshll.u32 @!p0 s4, $0x11;
	s6 =	sadd.s32 @!p0 $0x11B8D, s6;
	_ =	swait.eq @!p0 [sflag:s5], $0x1  }
0xb2: {  	s4 =	sor.u32 @!p0 s4, s6;
	[sflag:s5] =	ssyncadd.s32 @!p0 $0xFFFFFFFF  }
0xb3: {  	s25 =	simm.s32 $0x1B8E;
	s24 =	sld [smem:$0x3FFE];
	[sflag:s4] =	ssyncadd.remote.s32 @!p0 $0x1  }
0xb4: {  	s26 =	simm.s32 $execute0_lowered;
	[smem:$0x3FD2] =	sst s25  }
0xb5: {  	s5 =	sshll.u32 s26, $0x1;
	_ =	strace $0x80000052;
	[dreg:$0x1] =	wrdreg $0xFFFFFFFF  }
0xb6: {  	s28 =	simm.s32 $_size_execute0_lowered;
	s3 =	sadd.s32 s3, s5;
	[dreg:$0x0] =	wrdreg $0x0  }
0xb7: {  	s5 =	sshll.u32 s28, $0x1;
	[dreg:$0x2] =	wrdreg s3  }
0xb8: {  	[dreg:$0x3] =	wrdreg s5  }
0xb9: {  	[dreg:$0x4] =	wrdreg $0xC0  }
0xba: {  	_ =	task [dreg:s22], $0x5FFFF  }
0xbb: {  	[dreg:$0x1] =	wrdreg $0xFFFFFFFF  }
0xbc: {  	[dreg:$0x0] =	wrdreg $0x60  }
0xbd: {  	[dreg:$0x2] =	wrdreg s24  }
0xbe: {  	[dreg:$0x3] =	wrdreg $0xD  }
0xbf: {  	_ =	task.clear_ibuf [dreg:s22], $0x4FFFF;
	_ =	strace $0x90000052  }
0xc0: {  	s29 =	simm.s32 $0xD;
	_ =	strace $0x80000054  }
0xc1: {  	_ =	swait.ge [sflag:s29], $0x1  }
0xc2: {  	[sflag:s29] =	ssyncadd.s32 $0xFFFFFFFF  }
0xc3: {  	_ =	strace $0x90000054  }
0xc4: {  	_ =	sfence  }
0xc5: {  	s30 =	sld [smem:$0x0];
	_ =	sdelay $0x2  }
0xc6: {  	s31 =	sshll.u32 s1, $0xD;
	s1 =	sshrl.u32 s1, $0x2  }
0xc7: {  	s4 =	sand.u32 $0x4000, s31;
	s1 =	sadd.s32 s1, s30  }
0xc8: {  	s0 =	sor.u32 s4, s0;
	s1 =	sshll.u32 s1, $0x11  }
0xc9: {  	s0 =	sor.u32 s1, s0  }
0xca: {  	s0 =	sadd.s32 $0x8F2B, s0  }
0xcb: {  	[sflag:s0] =	ssyncadd.remote.s32 $0x1  }
0xcc: {  	_ =	sfence.sel $0xFFFF  }
0xcd: {  	[dreg:$0x0] =	wrdreg $0xFFFFFFFF;
	(pc) =	sbr.abs _section_cstart, $3  }
0xce: {  	[dreg:$0x1] =	wrdreg $0xFFFFFFFF  }
0xcf: {  	_ =	task.clear_ibuf [dreg:s22], $0x2FFFF;
	_ =	strace $0x9FFFFFFF  }
0xd0: {  	(tm) =	ssettm $0x7FFFFFFF  }
0xd1: {  	_ =	shalt  }
tec
execute0_lowered:
.L_overlay_start_1:
0x0: {  	(tag) =	ssettag $0x1  }
0x1: {  	s1 =	srdreg.scid;
	s0 =	stileid.u32  }
0x2: {  	s22 =	sand.u32 $0x1, s1;
	s30 =	sshll.u32 s0, $0x1  }
0x3: {  	s12 =	sor.u32 s22, s30  }
0x4: {  	s1 =	smul.u32 $0x780, s12;
	_ =	sdelay $0x1  }
0x5: {  	s10 =	sadd.s32 $0x23000, s1  }
0x6: {  	s9 =	rddreg [dreg:$0x0];
	s2 =	simm.s32 $0x0;
	s3 =	sshrl.u32 s10, $0x3  }
0x7: {  	s4 =	simm.s32 $0x5;
	[smem:$0x7FF] =	sst s2;
	s3 =	sadd.s32 s3, s9  }
0x8: {  	s1 =	rddreg [dreg:$0x1];
	_ =	strace $0x80000053;
	s3 =	sadd.s32 $0x1A00, s3  }
0x9: {  	[tilespmem:s2], [sflag:$0x5] =	stream.linear.gather [hbm4b:s3+s2], $0x780, $0x38;
	[tilespmem:$0x14780] =	vst v63  }
0xa: {  	_ =	swait.ge [sflag:s4], $0x780  }
0xb: {  	s6 =	simm.s32 $0x140;
	s7 =	simm.s32 $0x780;
	[sflag:s4] =	ssyncset.done $0x0  }
0xc: {  	s8 =	simm.s32 $0x1;
	s5 =	sadd.s32 $0x7E00, s9;
	[sflag:s4] =	ssyncadd.s32 $0xFFFFF880  }
0xd: {  	[tilespmem:s7], [sflag:$0x1] =	stream.indirect.gather [hbm4b:s5+s6], $0x80, s2, s6, $0xb8;
	[tilespmem:$0x14780] =	vst v63  }
0xe: {  	_ =	swait.ge [sflag:s8], $0xA000  }
0xf: {  	s13 =	sadd.s32 $0xE0E800, s9;
	[sflag:s8] =	ssyncset.done $0x0  }
0x10: {  	s10 =	sshll.u32 s10, $0x4;
	s9 =	simm.s32 $0xA780;
	[sflag:s8] =	ssyncadd.s32 $0xFFFF6000  }
0x11: {  	[tilespmem:s9], [sflag:$0x2] =	stream.indirect.gather [hbm4b:s5+s6], $0x80, s6, s6, $0xb8;
	[tilespmem:$0x14780] =	vst v63  }
0x12: {  	s11 =	simm.s32 $0x2;
	s10 =	sadd.s32 s13, s10  }
0x13: {  	[hbm4b:s10+s2] =	stream.linear.scatter [tilespmem:s7], [sflag:$0x3], $0xA000, $0x38;
	[tilespmem:$0x14780] =	vst v63  }
0x14: {  	_ =	swait.ge [sflag:s11], $0xA000  }
0x15: {  	[sflag:s11] =	ssyncset.done $0x0  }
0x16: {  	s14 =	smul.u32 $0x3C000, s12;
	s12 =	simm.s32 $0x3;
	[sflag:s11] =	ssyncadd.s32 $0xFFFF6000  }
0x17: {  	_ =	swait.ge [sflag:s12], $0xA000  }
0x18: {  	s14 =	sshrl.u32 s14, $0x3;
	[sflag:s12] =	ssyncset.done $0x0  }
0x19: {  	s23 =	sadd.s32 s13, s14;
	s13 =	simm.s32 $0x280;
	[sflag:s12] =	ssyncadd.s32 $0xFFFF6000  }
0x1a: {  	[tilespmem:s7], [sflag:$0x1] =	stream.indirect.gather [hbm4b:s5+s6], $0x80, s13, s6, $0xb8;
	[tilespmem:$0x14780] =	vst v63  }
0x1b: {  	s14 =	sadd.s32 $0x231400, s23  }
0x1c: {  	[hbm4b:s14+s2] =	stream.linear.scatter [tilespmem:s9], [sflag:$0x4], $0xA000, $0x38;
	[tilespmem:$0x14780] =	vst v63  }
0x1d: {  	_ =	swait.ge [sflag:s8], $0xA000  }
0x1e: {  	[sflag:s8] =	ssyncset.done $0x0  }
0x1f: {  	s15 =	simm.s32 $0x4;
	[sflag:s8] =	ssyncadd.s32 $0xFFFF6000  }
0x20: {  	_ =	swait.ge [sflag:s15], $0xA000  }
0x21: {  	[sflag:s15] =	ssyncset.done $0x0  }
0x22: {  	s16 =	simm.s32 $0x3C0;
	[sflag:s15] =	ssyncadd.s32 $0xFFFF6000  }
0x23: {  	[tilespmem:s9], [sflag:$0x2] =	stream.indirect.gather [hbm4b:s5+s6], $0x80, s16, s6, $0xb8;
	[tilespmem:$0x14780] =	vst v63  }
0x24: {  	s17 =	sadd.s32 $0x232800, s23  }
0x25: {  	[hbm4b:s17+s2] =	stream.linear.scatter [tilespmem:s7], [sflag:$0x3], $0xA000, $0x38;
	[tilespmem:$0x14780] =	vst v63  }
0x26: {  	_ =	swait.ge [sflag:s11], $0xA000  }
0x27: {  	[sflag:s11] =	ssyncset.done $0x0  }
0x28: {  	[sflag:s11] =	ssyncadd.s32 $0xFFFF6000  }
0x29: {  	_ =	swait.ge [sflag:s12], $0xA000  }
0x2a: {  	[sflag:s12] =	ssyncset.done $0x0  }
0x2b: {  	s18 =	simm.s32 $0x500;
	[sflag:s12] =	ssyncadd.s32 $0xFFFF6000  }
0x2c: {  	[tilespmem:s7], [sflag:$0x1] =	stream.indirect.gather [hbm4b:s5+s6], $0x80, s18, s6, $0xb8;
	[tilespmem:$0x14780] =	vst v63  }
0x2d: {  	s19 =	sadd.s32 $0x233C00, s23  }
0x2e: {  	[hbm4b:s19+s2] =	stream.linear.scatter [tilespmem:s9], [sflag:$0x4], $0xA000, $0x38;
	[tilespmem:$0x14780] =	vst v63  }
0x2f: {  	_ =	swait.ge [sflag:s8], $0xA000  }
0x30: {  	[sflag:s8] =	ssyncset.done $0x0  }
0x31: {  	[sflag:s8] =	ssyncadd.s32 $0xFFFF6000  }
0x32: {  	_ =	swait.ge [sflag:s15], $0xA000  }
0x33: {  	[sflag:s15] =	ssyncset.done $0x0  }
0x34: {  	s20 =	simm.s32 $0x640;
	s24 =	ssub.s32 $0x2, s22;
	[sflag:s15] =	ssyncadd.s32 $0xFFFF6000  }
0x35: {  	[tilespmem:s9], [sflag:$0x2] =	stream.indirect.gather [hbm4b:s5+s6], $0x80, s20, s6, $0xb8;
	[tilespmem:$0x14780] =	vst v63  }
0x36: {  	s31 =	sshrl.u32 s24, $0x1;
	s21 =	sadd.s32 $0x235000, s23  }
0x37: {  	[hbm4b:s21+s2] =	stream.linear.scatter [tilespmem:s7], [sflag:$0x3], $0xA000, $0x38;
	[tilespmem:$0x14780] =	vst v63  }
0x38: {  	s22 =	sadd.s32 $0x236400, s23;
	s23 =	ssub.s32 s24, s31;
	_ =	swait.ge [sflag:s11], $0xA000  }
0x39: {  	s23 =	smax.u32 s23, $0x1;
	[sflag:s11] =	ssyncset.done $0x0  }
0x3a: {  	p0 =	sne.s32 s23, $0x1;
	[sflag:s11] =	ssyncadd.s32 $0xFFFF6000  }
0x3b: {  	[hbm4b:s22+s2] =	stream.linear.scatter [tilespmem:s9], [sflag:$0x4], $0xA000, $0x38;
	[tilespmem:$0x14780] =	vst v63  }
.Ltmp0:
0x3c: {  	_ =	swait.ge [sflag:s12], $0xA000;
	(pc) =	sbr.rel @!p0 .LBB2_2-.Ltmp0, $4  }
0x3d: {  	[sflag:s12] =	ssyncset.done $0x0  }
0x3e: {  	[sflag:s12] =	ssyncadd.s32 $0xFFFF6000  }
0x3f: {  	_ =	swait.ge [sflag:s15], $0xA000  }
0x40: {  	s23 =	sadd.s32 $0xFFFFFFFF, s23;
	[sflag:s15] =	ssyncset.done $0x0  }
.LBB2_1:
0x41: {  	p0 =	sne.s32 s23, $0x1;
	s23 =	sadd.s32 $0xFFFFFFFF, s23;
	[sflag:s15] =	ssyncadd.s32 $0xFFFF6000  }
0x42: {  	[tilespmem:s2], [sflag:$0x5] =	stream.linear.gather [hbm4b:s3+s2], $0x780, $0x38;
	[tilespmem:$0x14780] =	vst v63  }
0x43: {  	_ =	swait.ge [sflag:s4], $0x780  }
0x44: {  	[sflag:s4] =	ssyncset.done $0x0  }
0x45: {  	[sflag:s4] =	ssyncadd.s32 $0xFFFFF880  }
0x46: {  	[tilespmem:s7], [sflag:$0x1] =	stream.indirect.gather [hbm4b:s5+s6], $0x80, s2, s6, $0xb8;
	[tilespmem:$0x14780] =	vst v63  }
0x47: {  	_ =	swait.ge [sflag:s8], $0xA000  }
0x48: {  	[sflag:s8] =	ssyncset.done $0x0  }
0x49: {  	[sflag:s8] =	ssyncadd.s32 $0xFFFF6000  }
0x4a: {  	[tilespmem:s9], [sflag:$0x2] =	stream.indirect.gather [hbm4b:s5+s6], $0x80, s6, s6, $0xb8;
	[tilespmem:$0x14780] =	vst v63  }
0x4b: {  	_ = 	snop  }
0x4c: {  	[hbm4b:s10+s2] =	stream.linear.scatter [tilespmem:s7], [sflag:$0x3], $0xA000, $0x38;
	[tilespmem:$0x14780] =	vst v63  }
0x4d: {  	_ =	swait.ge [sflag:s11], $0xA000  }
0x4e: {  	[sflag:s11] =	ssyncset.done $0x0  }
0x4f: {  	[sflag:s11] =	ssyncadd.s32 $0xFFFF6000  }
0x50: {  	_ =	swait.ge [sflag:s12], $0xA000  }
0x51: {  	[sflag:s12] =	ssyncset.done $0x0  }
0x52: {  	[sflag:s12] =	ssyncadd.s32 $0xFFFF6000  }
0x53: {  	[tilespmem:s7], [sflag:$0x1] =	stream.indirect.gather [hbm4b:s5+s6], $0x80, s13, s6, $0xb8;
	[tilespmem:$0x14780] =	vst v63  }
0x54: {  	_ = 	snop  }
0x55: {  	[hbm4b:s14+s2] =	stream.linear.scatter [tilespmem:s9], [sflag:$0x4], $0xA000, $0x38;
	[tilespmem:$0x14780] =	vst v63  }
0x56: {  	_ =	swait.ge [sflag:s8], $0xA000  }
0x57: {  	[sflag:s8] =	ssyncset.done $0x0  }
0x58: {  	[sflag:s8] =	ssyncadd.s32 $0xFFFF6000  }
0x59: {  	_ =	swait.ge [sflag:s15], $0xA000  }
0x5a: {  	[sflag:s15] =	ssyncset.done $0x0  }
0x5b: {  	[sflag:s15] =	ssyncadd.s32 $0xFFFF6000  }
0x5c: {  	[tilespmem:s9], [sflag:$0x2] =	stream.indirect.gather [hbm4b:s5+s6], $0x80, s16, s6, $0xb8;
	[tilespmem:$0x14780] =	vst v63  }
0x5d: {  	_ = 	snop  }
0x5e: {  	[hbm4b:s17+s2] =	stream.linear.scatter [tilespmem:s7], [sflag:$0x3], $0xA000, $0x38;
	[tilespmem:$0x14780] =	vst v63  }
0x5f: {  	_ =	swait.ge [sflag:s11], $0xA000  }
0x60: {  	[sflag:s11] =	ssyncset.done $0x0  }
0x61: {  	[sflag:s11] =	ssyncadd.s32 $0xFFFF6000  }
0x62: {  	_ =	swait.ge [sflag:s12], $0xA000  }
0x63: {  	[sflag:s12] =	ssyncset.done $0x0  }
0x64: {  	[sflag:s12] =	ssyncadd.s32 $0xFFFF6000  }
0x65: {  	[tilespmem:s7], [sflag:$0x1] =	stream.indirect.gather [hbm4b:s5+s6], $0x80, s18, s6, $0xb8;
	[tilespmem:$0x14780] =	vst v63  }
0x66: {  	_ = 	snop  }
0x67: {  	[hbm4b:s19+s2] =	stream.linear.scatter [tilespmem:s9], [sflag:$0x4], $0xA000, $0x38;
	[tilespmem:$0x14780] =	vst v63  }
0x68: {  	_ =	swait.ge [sflag:s8], $0xA000  }
0x69: {  	[sflag:s8] =	ssyncset.done $0x0  }
0x6a: {  	[sflag:s8] =	ssyncadd.s32 $0xFFFF6000  }
0x6b: {  	_ =	swait.ge [sflag:s15], $0xA000  }
0x6c: {  	[sflag:s15] =	ssyncset.done $0x0  }
0x6d: {  	[sflag:s15] =	ssyncadd.s32 $0xFFFF6000  }
0x6e: {  	[tilespmem:s9], [sflag:$0x2] =	stream.indirect.gather [hbm4b:s5+s6], $0x80, s20, s6, $0xb8;
	[tilespmem:$0x14780] =	vst v63  }
0x6f: {  	_ = 	snop  }
0x70: {  	[hbm4b:s21+s2] =	stream.linear.scatter [tilespmem:s7], [sflag:$0x3], $0xA000, $0x38;
	[tilespmem:$0x14780] =	vst v63  }
0x71: {  	_ =	swait.ge [sflag:s11], $0xA000  }
0x72: {  	[sflag:s11] =	ssyncset.done $0x0  }
0x73: {  	[sflag:s11] =	ssyncadd.s32 $0xFFFF6000  }
0x74: {  	[hbm4b:s22+s2] =	stream.linear.scatter [tilespmem:s9], [sflag:$0x4], $0xA000, $0x38;
	[tilespmem:$0x14780] =	vst v63  }
.Ltmp1:
0x75: {  	_ =	swait.ge [sflag:s12], $0xA000;
	(pc) =	sbr.rel @p0 .LBB2_1-.Ltmp1, $4  }
0x76: {  	[sflag:s12] =	ssyncset.done $0x0  }
0x77: {  	[sflag:s12] =	ssyncadd.s32 $0xFFFF6000  }
0x78: {  	_ =	swait.ge [sflag:s15], $0xA000  }
0x79: {  	[sflag:s15] =	ssyncset.done $0x0  }
.LBB2_2:
0x7a: {  	[sflag:s15] =	ssyncadd.s32 $0xFFFF6000  }
0x7b: {  	_ =	sfence.sel $0x180000  }
0x7c: {  	[bflag:$0x0] =	sbarrier.arrive $0xFFFF  }
0x7d: {  	p0 =	sne.s32 s0, $0x0;
	_ =	strace $0x90000053  }
0x7e: {  	s0 =	sadd.s32 @!p0 $0x100000, s1;
	[bflag:$0x2] =	sbarrier.arrive $0xFFFF  }
0x7f: {  	[sflag:s0] =	ssyncadd.tile.s32 @!p0 $0x1;
	_ =	shalt  }
.Lfunc_end2:
_tile_overlayer_lowered:
.L_overlay_start_2:
0x80: {  	(tag) =	ssettag $0x2  }
0x81: {  	s0 =	rddreg [dreg:$0x0];
	s2 =	stileid.u32  }
0x82: {  	s1 =	rddreg [dreg:$0x1];
	p0 =	sne.s32 s2, $0x0  }
0x83: {  	s3 =	rddreg [dreg:$0x2];
	[bflag:$0x3] =	sbarrier.arrive $0xFFFF;
	s2 =	simm.s32 @!p0 $0x1C05  }
0x84: {  	[timem:s3], [sflag:s2] =	dma.local @!p0 [hbm:s0], s1  }
0x85: {  	s0 =	simm.s32 @!p0 $0x5  }
0x86: {  	_ =	swait.ge @!p0 [sflag:s0], s1  }
0x87: {  	s1 =	ssub.s32 @!p0 $0x0, s1;
	[sflag:s0] =	ssyncset.done @!p0 $0x0  }
0x88: {  	[sflag:s0] =	ssyncadd.s32 @!p0 s1  }
0x89: {  	[bflag:$0x3] =	sbarrier.arrive $0xFFFF  }
0x8a: {  	_ =	shalt  }

// kernel: sc_gather_3.3.cloned.1.call-start
scs
__scs_entry_jumppad:
0x0: {  	(pc) =	sbr.rel $0x88, $3  }
0x1: {  	(tag) =	ssettag $0x0;
	lr =	simm.s32 $0x1  }
0x2: {  	[smem:$0x3F9A] =	sst lr;
	_ =	strace $0xD0000000  }
0x3: {  	_ = 	snop  }
0x4: {  	_ = 	snop  }
0x5: {  	_ = 	snop  }
0x6: {  	_ = 	snop  }
0x7: {  	_ = 	snop  }
__scs_overlays_trampoline_lowered:
0x8: {  	[smem:$0x3FA9] =	sst s0  }
0x9: {  	[smem:$0x3FAA] =	sst s1  }
0xa: {  	[smem:$0x3FAB] =	sst s2  }
0xb: {  	[smem:$0x3FAC] =	sst s3  }
0xc: {  	[smem:$0x3FAD] =	sst s4  }
0xd: {  	[smem:$0x3FAE] =	sst s5  }
0xe: {  	[smem:$0x3FAF] =	sst s6  }
0xf: {  	[smem:$0x3FB0] =	sst s7  }
0x10: {  	[smem:$0x3FB1] =	sst s8  }
0x11: {  	[smem:$0x3FB2] =	sst s9;
	s0 =	simm.s32 @!p0 $0x0  }
0x12: {  	s1 =	sld [smem:$0x3F98];
	s0 =	simm.s32 @p0 $0x1  }
0x13: {  	[smem:$0x3FB3] =	sst s0;
	s0 =	simm.s32 @!p1 $0x0  }
0x14: {  	s2 =	sld [smem:$0x3F97];
	s0 =	simm.s32 @p1 $0x1  }
0x15: {  	[smem:$0x3FB4] =	sst s0;
	s0 =	simm.s32 @!p2 $0x0  }
0x16: {  	s3 =	sld [smem:$0x3FDB];
	s0 =	simm.s32 @p2 $0x1  }
0x17: {  	s4 =	simm.s32 $0x1BF5;
	[smem:$0x3FB6] =	sst s0  }
0x18: {  	s0 =	sld [smem:$0x3F99];
	_ =	swait.ge [sflag:s4], $0x0  }
0x19: {  	s7 =	sld [smem:$0x3F9A]  }
0x1a: {  	s8 =	sadd.s32 $0xFFFFE003, lr  }
0x1b: {  	s9 =	sadd.s32 $0xFFFFFEF7, lr;
	s5 =	simm.s32 $0xFFFFFFFF;
	p2 =	slt.u32 s8, $0xFFFFF086  }
0x1c: {  	p1 =	slt.u32 s9, $0xF7A;
	s5 =	simm.s32 @!p2 $0x0  }
0x1d: {  	s5 =	simm.s32 @p1 $0x1;
	p0 =	seq.s32 s7, s2  }
0x1e: {  	s7 =	smul.u32 @!p0 $0xF7A, s2;
	p2 =	seq.s32 @!p0 s5, $0x0  }
0x1f: {  	s9 =	smul.u32 $0xF7A, s1;
	s8 =	simm.s32 @!p0 $0x1BF5;
	p2 =	por !p2, p0  }
0x20: {  	[sflag:s8] =	ssyncset.s32 @!p0 $0xFFFFF086;
	s6 =	sadd.s32 @!p0 s3, s7;
	s7 =	simm.s32 @!p0 $0x108  }
0x21: {  	s3 =	sadd.s32 s3, s9;
	s6 =	sadd.s32 @!p0 $0x88, s6;
	s7 =	simm.s32 @p2 $0x1082  }
0x22: {  	[simem:s7], [sflag:s8] =	dma.local @!p0 [hbm:s6], $0xF7A  }
0x23: {  	s9 =	sor.u32 $0xD0000000, s2;
	s6 =	simm.s32 $0x108;
	_ =	swait.ge @!p0 [sflag:s8], $0x0  }
0x24: {  	s3 =	sadd.s32 $0x88, s3;
	s6 =	simm.s32 @!p1 $0x1082;
	[sflag:s4] =	ssyncset.s32 $0xFFFFF086  }
0x25: {  	[simem:s6], [sflag:s4] =	dma.local [hbm:s3], $0xF7A  }
0x26: {  	[smem:$0x3F9A] =	sst s1;
	(tag) =	ssettag s2;
	_ =	strace s9  }
0x27: {  	s1 =	sld [smem:$0x3FAA]  }
0x28: {  	s2 =	sld [smem:$0x3FAB]  }
0x29: {  	s4 =	sld [smem:$0x3FAD]  }
0x2a: {  	p0 =	seq.s32 s5, $0x0;
	s5 =	sld [smem:$0x3FAE]  }
0x2b: {  	s6 =	sld [smem:$0x3FAF]  }
0x2c: {  	s7 =	sld [smem:$0x3FB0]  }
0x2d: {  	s3 =	simm.s32 $0x108;
	s8 =	sld [smem:$0x3FB1]  }
0x2e: {  	s3 =	simm.s32 @!p0 $0x1082;
	s9 =	sld [smem:$0x3FB2]  }
0x2f: {  	lr =	sadd.s32 s0, s3;
	s0 =	sld [smem:$0x3FA9]  }
0x30: {  	s3 =	sld [smem:$0x3FAC]  }
0x31: {  	[smem:$0x3FB5] =	sst s10  }
0x32: {  	s10 =	sld [smem:$0x3FB3];
	_ =	sdelay $0x3  }
0x33: {  	p0 =	seq.s32 s10, $0x1;
	s10 =	sld [smem:$0x3FB5];
	_ =	sdelay $0x3  }
0x34: {  	[smem:$0x3FB5] =	sst s10  }
0x35: {  	s10 =	sld [smem:$0x3FB4];
	_ =	sdelay $0x3  }
0x36: {  	p1 =	seq.s32 s10, $0x1;
	s10 =	sld [smem:$0x3FB5];
	_ =	sdelay $0x3  }
0x37: {  	[smem:$0x3FB5] =	sst s10  }
0x38: {  	s10 =	sld [smem:$0x3FB6]  }
0x39: {  	_ = 	snop;
	(pc) =	sbr.ind lr, $3  }
0x3a: {  	_ = 	snop  }
0x3b: {  	_ = 	snop  }
0x3c: {  	p2 =	seq.s32 s10, $0x1;
	s10 =	sld [smem:$0x3FB5]  }
0x3d: {  	_ =	shalt  }
0x3e: {  	_ =	shalt  }
0x3f: {  	_ =	shalt  }
0x40: {  	_ =	shalt  }
0x41: {  	_ =	shalt  }
0x42: {  	_ =	shalt  }
0x43: {  	_ =	shalt  }
0x44: {  	_ =	shalt  }
0x45: {  	_ =	shalt  }
0x46: {  	_ =	shalt  }
0x47: {  	_ =	shalt  }
0x48: {  	_ =	shalt  }
0x49: {  	_ =	shalt  }
0x4a: {  	_ =	shalt  }
0x4b: {  	_ =	shalt  }
0x4c: {  	_ =	shalt  }
0x4d: {  	_ =	shalt  }
0x4e: {  	_ =	shalt  }
0x4f: {  	_ =	shalt  }
0x50: {  	_ =	shalt  }
0x51: {  	_ =	shalt  }
0x52: {  	_ =	shalt  }
0x53: {  	_ =	shalt  }
0x54: {  	_ =	shalt  }
0x55: {  	_ =	shalt  }
0x56: {  	_ =	shalt  }
0x57: {  	_ =	shalt  }
0x58: {  	_ =	shalt  }
0x59: {  	_ =	shalt  }
0x5a: {  	_ =	shalt  }
0x5b: {  	_ =	shalt  }
0x5c: {  	_ =	shalt  }
0x5d: {  	_ =	shalt  }
0x5e: {  	_ =	shalt  }
0x5f: {  	_ =	shalt  }
0x60: {  	_ =	shalt  }
0x61: {  	_ =	shalt  }
0x62: {  	_ =	shalt  }
0x63: {  	_ =	shalt  }
0x64: {  	_ =	shalt  }
0x65: {  	_ =	shalt  }
0x66: {  	_ =	shalt  }
0x67: {  	_ =	shalt  }
0x68: {  	_ =	shalt  }
0x69: {  	_ =	shalt  }
0x6a: {  	_ =	shalt  }
0x6b: {  	_ =	shalt  }
0x6c: {  	_ =	shalt  }
0x6d: {  	_ =	shalt  }
0x6e: {  	_ =	shalt  }
0x6f: {  	_ =	shalt  }
0x70: {  	_ =	shalt  }
0x71: {  	_ =	shalt  }
0x72: {  	_ =	shalt  }
0x73: {  	_ =	shalt  }
0x74: {  	_ =	shalt  }
0x75: {  	_ =	shalt  }
0x76: {  	_ =	shalt  }
0x77: {  	_ =	shalt  }
0x78: {  	_ =	shalt  }
0x79: {  	_ =	shalt  }
0x7a: {  	_ =	shalt  }
0x7b: {  	_ =	shalt  }
0x7c: {  	_ =	shalt  }
0x7d: {  	_ =	shalt  }
0x7e: {  	_ =	shalt  }
0x7f: {  	_ =	shalt  }
0x80: {  	_ =	shalt  }
0x81: {  	_ =	shalt  }
0x82: {  	_ =	shalt  }
0x83: {  	_ =	shalt  }
0x84: {  	_ =	shalt  }
0x85: {  	_ =	shalt  }
0x86: {  	_ =	shalt  }
0x87: {  	_ =	shalt  }
.Lfunc_end0:
.L_simem_size_0:
called_computation.2_lowered:
.L_overlay_start_0:
0x88: {  	s2 =	sld [smem:$0x3FD9]  }
0x89: {  	s3 =	sld [smem:$0x3FFE];
	_ =	sdelay $0x1  }
0x8a: {  	s1 =	srdreg.scid  }
0x8b: {  	s0 =	sand.u32 $0x1, s1  }
0x8c: {  	s17 =	sshll.u32 s0, $0xA;
	s2 =	sadd.s32 s3, s2  }
0x8d: {  	s2 =	sadd.s32 s2, s17  }
0x8e: {  	[smem:$0x3FC1] =	sst s2  }
0x8f: {  	_ = 	snop  }
0x90: {  	(tm) =	ssettm $0x1  }
0x91: {  	s18 =	sld [smem:$0x3FFB];
	_ =	sdelay $0x3  }
0x92: {  	_ =	strace s18  }
0x93: {  	s2 =	sld [smem:$0x3FFC];
	_ =	sdelay $0x3  }
0x94: {  	_ =	strace s2  }
0x95: {  	s2 =	sld [smem:$0x3FFD];
	_ =	sdelay $0x3  }
0x96: {  	_ =	strace s2  }
0x97: {  	_ =	strace $0x8FFFFFFF  }
0x98: {  	s19 =	sld [smem:$0x3FDB];
	_ =	sdelay $0x1  }
0x99: {  	s20 =	simm.s32 $_scs_section_size  }
0x9a: {  	s4 =	simm.s32 $_size__tile_overlayer_lowered;
	s5 =	simm.s32 $_tile_overlayer_lowered  }
0x9b: {  	s6 =	simm.s32 $0x1BFF;
	s21 =	sshll.u32 s5, $0x1;
	s3 =	sadd.s32 s20, s19  }
0x9c: {  	s22 =	simm.s32 $0x0;
	s4 =	sshll.u32 s4, $0x1;
	s5 =	sadd.s32 s21, s3  }
0x9d: {  	[timem:s22], [sflag:s6] =	dma.local [hbm:s5], s4  }
0x9e: {  	_ =	swait.ge [sflag:s6], s4  }
0x9f: {  	s4 =	ssub.s32 $0x0, s4;
	[sflag:s6] =	ssyncset.done $0x0  }
0xa0: {  	[sflag:s6] =	ssyncadd.s32 s4;
	_ =	sdelay $0x1  }
0xa1: {  	s23 =	simm.s32 $0x1B8B  }
0xa2: {  	_ =	swait.ge [sflag:s23], $0x1  }
0xa3: {  	[sflag:s23] =	ssyncset.done $0x0  }
0xa4: {  	[sflag:s23] =	ssyncadd.s32 $0xFFFFFFFF  }
0xa5: {  	s4 =	sld [smem:$0x0]  }
0xa6: {  	s5 =	sand.u32 $0xFFFFFFFE, s1  }
0xa7: {  	p0 =	sne.s32 s1, s5  }
0xa8: {  	s5 =	sshll.u32 @p0 s5, $0xE  }
0xa9: {  	s5 =	sadd.s32 @p0 $0x11B8D, s5;
	s6 =	sshll.u32 @p0 s4, $0x11  }
0xaa: {  	s5 =	sor.u32 @p0 s6, s5  }
0xab: {  	[sflag:s5] =	ssyncadd.remote.s32 @p0 $0x1;
	_ =	sdelay $0x1  }
0xac: {  	s5 =	simm.s32 @p0 $0x1B8D  }
0xad: {  	_ =	swait.eq @p0 [sflag:s5], $0x1  }
0xae: {  	[sflag:s5] =	ssyncadd.s32 @p0 $0xFFFFFFFF  }
0xaf: {  	s6 =	sshll.u32 @!p0 s1, $0xE  }
0xb0: {  	s6 =	sor.u32 @!p0 $0x4000, s6;
	s5 =	simm.s32 @!p0 $0x1B8D  }
0xb1: {  	s4 =	sshll.u32 @!p0 s4, $0x11;
	s6 =	sadd.s32 @!p0 $0x11B8D, s6;
	_ =	swait.eq @!p0 [sflag:s5], $0x1  }
0xb2: {  	s4 =	sor.u32 @!p0 s4, s6;
	[sflag:s5] =	ssyncadd.s32 @!p0 $0xFFFFFFFF  }
0xb3: {  	s25 =	simm.s32 $0x1B8E;
	s24 =	sld [smem:$0x3FFE];
	[sflag:s4] =	ssyncadd.remote.s32 @!p0 $0x1  }
0xb4: {  	s26 =	simm.s32 $execute0_lowered;
	[smem:$0x3FD2] =	sst s25  }
0xb5: {  	s5 =	sshll.u32 s26, $0x1;
	_ =	strace $0x8000004C;
	[dreg:$0x1] =	wrdreg $0xFFFFFFFF  }
0xb6: {  	s28 =	simm.s32 $_size_execute0_lowered;
	s3 =	sadd.s32 s3, s5;
	[dreg:$0x0] =	wrdreg $0x0  }
0xb7: {  	s5 =	sshll.u32 s28, $0x1;
	[dreg:$0x2] =	wrdreg s3  }
0xb8: {  	[dreg:$0x3] =	wrdreg s5  }
0xb9: {  	[dreg:$0x4] =	wrdreg $0xC0  }
0xba: {  	_ =	task [dreg:s22], $0x5FFFF  }
0xbb: {  	[dreg:$0x1] =	wrdreg $0xFFFFFFFF  }
0xbc: {  	[dreg:$0x0] =	wrdreg $0x60  }
0xbd: {  	[dreg:$0x2] =	wrdreg s24  }
0xbe: {  	[dreg:$0x3] =	wrdreg $0xB  }
0xbf: {  	_ =	task.clear_ibuf [dreg:s22], $0x4FFFF;
	_ =	strace $0x9000004C  }
0xc0: {  	s29 =	simm.s32 $0xB;
	_ =	strace $0x8000004E  }
0xc1: {  	_ =	swait.ge [sflag:s29], $0x1  }
0xc2: {  	[sflag:s29] =	ssyncadd.s32 $0xFFFFFFFF  }
0xc3: {  	_ =	strace $0x9000004E  }
0xc4: {  	_ =	sfence  }
0xc5: {  	s30 =	sld [smem:$0x0];
	_ =	sdelay $0x2  }
0xc6: {  	s31 =	sshll.u32 s1, $0xD;
	s1 =	sshrl.u32 s1, $0x2  }
0xc7: {  	s4 =	sand.u32 $0x4000, s31;
	s1 =	sadd.s32 s1, s30  }
0xc8: {  	s0 =	sor.u32 s4, s0;
	s1 =	sshll.u32 s1, $0x11  }
0xc9: {  	s0 =	sor.u32 s1, s0  }
0xca: {  	s0 =	sadd.s32 $0x8F2B, s0  }
0xcb: {  	[sflag:s0] =	ssyncadd.remote.s32 $0x1  }
0xcc: {  	_ =	sfence.sel $0xFFFF  }
0xcd: {  	[dreg:$0x0] =	wrdreg $0xFFFFFFFF;
	(pc) =	sbr.abs _section_cstart, $3  }
0xce: {  	[dreg:$0x1] =	wrdreg $0xFFFFFFFF  }
0xcf: {  	_ =	task.clear_ibuf [dreg:s22], $0x2FFFF;
	_ =	strace $0x9FFFFFFF  }
0xd0: {  	(tm) =	ssettm $0x7FFFFFFF  }
0xd1: {  	_ =	shalt  }
tec
execute0_lowered:
.L_overlay_start_1:
0x0: {  	(tag) =	ssettag $0x1  }
0x1: {  	s1 =	srdreg.scid;
	s0 =	stileid.u32  }
0x2: {  	s20 =	sand.u32 $0x1, s1;
	s30 =	sshll.u32 s0, $0x1  }
0x3: {  	s12 =	sor.u32 s20, s30  }
0x4: {  	s1 =	smul.u32 $0x640, s12;
	_ =	sdelay $0x1  }
0x5: {  	s10 =	sadd.s32 $0x7800, s1  }
0x6: {  	s9 =	rddreg [dreg:$0x0];
	s2 =	simm.s32 $0x0;
	s3 =	sshrl.u32 s10, $0x3  }
0x7: {  	s4 =	simm.s32 $0x5;
	[smem:$0x7FF] =	sst s2;
	s3 =	sadd.s32 s3, s9  }
0x8: {  	s1 =	rddreg [dreg:$0x1];
	_ =	strace $0x8000004D;
	s3 =	sadd.s32 $0x1A00, s3  }
0x9: {  	[tilespmem:s2], [sflag:$0x5] =	stream.linear.gather [hbm4b:s3+s2], $0x640, $0x38;
	[tilespmem:$0x14680] =	vst v63  }
0xa: {  	_ =	swait.ge [sflag:s4], $0x640  }
0xb: {  	s6 =	simm.s32 $0x140;
	s7 =	simm.s32 $0x680;
	[sflag:s4] =	ssyncset.done $0x0  }
0xc: {  	s8 =	simm.s32 $0x1;
	s5 =	sadd.s32 $0x7E00, s9;
	[sflag:s4] =	ssyncadd.s32 $0xFFFFF9C0  }
0xd: {  	[tilespmem:s7], [sflag:$0x1] =	stream.indirect.gather [hbm4b:s5+s6], $0x80, s2, s6, $0xb8;
	[tilespmem:$0x14680] =	vst v63  }
0xe: {  	_ =	swait.ge [sflag:s8], $0xA000  }
0xf: {  	s13 =	sadd.s32 $0x7CE800, s9;
	[sflag:s8] =	ssyncset.done $0x0  }
0x10: {  	s10 =	sshll.u32 s10, $0x4;
	s9 =	simm.s32 $0xA680;
	[sflag:s8] =	ssyncadd.s32 $0xFFFF6000  }
0x11: {  	[tilespmem:s9], [sflag:$0x2] =	stream.indirect.gather [hbm4b:s5+s6], $0x80, s6, s6, $0xb8;
	[tilespmem:$0x14680] =	vst v63  }
0x12: {  	s11 =	simm.s32 $0x2;
	s10 =	sadd.s32 s13, s10  }
0x13: {  	[hbm4b:s10+s2] =	stream.linear.scatter [tilespmem:s7], [sflag:$0x3], $0xA000, $0x38;
	[tilespmem:$0x14680] =	vst v63  }
0x14: {  	_ =	swait.ge [sflag:s11], $0xA000  }
0x15: {  	[sflag:s11] =	ssyncset.done $0x0  }
0x16: {  	s14 =	smul.u32 $0x32000, s12;
	s12 =	simm.s32 $0x3;
	[sflag:s11] =	ssyncadd.s32 $0xFFFF6000  }
0x17: {  	_ =	swait.ge [sflag:s12], $0xA000  }
0x18: {  	s14 =	sshrl.u32 s14, $0x3;
	[sflag:s12] =	ssyncset.done $0x0  }
0x19: {  	s21 =	sadd.s32 s13, s14;
	s13 =	simm.s32 $0x280;
	[sflag:s12] =	ssyncadd.s32 $0xFFFF6000  }
0x1a: {  	[tilespmem:s7], [sflag:$0x1] =	stream.indirect.gather [hbm4b:s5+s6], $0x80, s13, s6, $0xb8;
	[tilespmem:$0x14680] =	vst v63  }
0x1b: {  	s14 =	sadd.s32 $0x79400, s21  }
0x1c: {  	[hbm4b:s14+s2] =	stream.linear.scatter [tilespmem:s9], [sflag:$0x4], $0xA000, $0x38;
	[tilespmem:$0x14680] =	vst v63  }
0x1d: {  	_ =	swait.ge [sflag:s8], $0xA000  }
0x1e: {  	[sflag:s8] =	ssyncset.done $0x0  }
0x1f: {  	s15 =	simm.s32 $0x4;
	[sflag:s8] =	ssyncadd.s32 $0xFFFF6000  }
0x20: {  	_ =	swait.ge [sflag:s15], $0xA000  }
0x21: {  	[sflag:s15] =	ssyncset.done $0x0  }
0x22: {  	s16 =	simm.s32 $0x3C0;
	[sflag:s15] =	ssyncadd.s32 $0xFFFF6000  }
0x23: {  	[tilespmem:s9], [sflag:$0x2] =	stream.indirect.gather [hbm4b:s5+s6], $0x80, s16, s6, $0xb8;
	[tilespmem:$0x14680] =	vst v63  }
0x24: {  	s17 =	sadd.s32 $0x7A800, s21  }
0x25: {  	[hbm4b:s17+s2] =	stream.linear.scatter [tilespmem:s7], [sflag:$0x3], $0xA000, $0x38;
	[tilespmem:$0x14680] =	vst v63  }
0x26: {  	_ =	swait.ge [sflag:s11], $0xA000  }
0x27: {  	[sflag:s11] =	ssyncset.done $0x0  }
0x28: {  	[sflag:s11] =	ssyncadd.s32 $0xFFFF6000  }
0x29: {  	_ =	swait.ge [sflag:s12], $0xA000  }
0x2a: {  	[sflag:s12] =	ssyncset.done $0x0  }
0x2b: {  	s18 =	simm.s32 $0x500;
	s22 =	ssub.s32 $0x2, s20;
	[sflag:s12] =	ssyncadd.s32 $0xFFFF6000  }
0x2c: {  	[tilespmem:s7], [sflag:$0x1] =	stream.indirect.gather [hbm4b:s5+s6], $0x80, s18, s6, $0xb8;
	[tilespmem:$0x14680] =	vst v63  }
0x2d: {  	s31 =	sshrl.u32 s22, $0x1;
	s19 =	sadd.s32 $0x7BC00, s21  }
0x2e: {  	[hbm4b:s19+s2] =	stream.linear.scatter [tilespmem:s9], [sflag:$0x4], $0xA000, $0x38;
	[tilespmem:$0x14680] =	vst v63  }
0x2f: {  	s20 =	sadd.s32 $0x7D000, s21;
	s21 =	ssub.s32 s22, s31;
	_ =	swait.ge [sflag:s8], $0xA000  }
0x30: {  	s21 =	smax.u32 s21, $0x1;
	[sflag:s8] =	ssyncset.done $0x0  }
0x31: {  	p0 =	sne.s32 s21, $0x1;
	[sflag:s8] =	ssyncadd.s32 $0xFFFF6000  }
0x32: {  	[hbm4b:s20+s2] =	stream.linear.scatter [tilespmem:s7], [sflag:$0x3], $0xA000, $0x38;
	[tilespmem:$0x14680] =	vst v63  }
.Ltmp0:
0x33: {  	_ =	swait.ge [sflag:s12], $0xA000;
	(pc) =	sbr.rel @!p0 .LBB2_2-.Ltmp0, $4  }
0x34: {  	[sflag:s12] =	ssyncset.done $0x0  }
0x35: {  	[sflag:s12] =	ssyncadd.s32 $0xFFFF6000  }
0x36: {  	_ =	swait.ge [sflag:s15], $0xA000  }
0x37: {  	s21 =	sadd.s32 $0xFFFFFFFF, s21;
	[sflag:s15] =	ssyncset.done $0x0  }
.LBB2_1:
0x38: {  	p0 =	sne.s32 s21, $0x1;
	s21 =	sadd.s32 $0xFFFFFFFF, s21;
	[sflag:s15] =	ssyncadd.s32 $0xFFFF6000  }
0x39: {  	[tilespmem:s2], [sflag:$0x5] =	stream.linear.gather [hbm4b:s3+s2], $0x640, $0x38;
	[tilespmem:$0x14680] =	vst v63  }
0x3a: {  	_ =	swait.ge [sflag:s4], $0x640  }
0x3b: {  	[sflag:s4] =	ssyncset.done $0x0  }
0x3c: {  	[sflag:s4] =	ssyncadd.s32 $0xFFFFF9C0  }
0x3d: {  	[tilespmem:s7], [sflag:$0x1] =	stream.indirect.gather [hbm4b:s5+s6], $0x80, s2, s6, $0xb8;
	[tilespmem:$0x14680] =	vst v63  }
0x3e: {  	_ =	swait.ge [sflag:s8], $0xA000  }
0x3f: {  	[sflag:s8] =	ssyncset.done $0x0  }
0x40: {  	[sflag:s8] =	ssyncadd.s32 $0xFFFF6000  }
0x41: {  	[tilespmem:s9], [sflag:$0x2] =	stream.indirect.gather [hbm4b:s5+s6], $0x80, s6, s6, $0xb8;
	[tilespmem:$0x14680] =	vst v63  }
0x42: {  	_ = 	snop  }
0x43: {  	[hbm4b:s10+s2] =	stream.linear.scatter [tilespmem:s7], [sflag:$0x3], $0xA000, $0x38;
	[tilespmem:$0x14680] =	vst v63  }
0x44: {  	_ =	swait.ge [sflag:s11], $0xA000  }
0x45: {  	[sflag:s11] =	ssyncset.done $0x0  }
0x46: {  	[sflag:s11] =	ssyncadd.s32 $0xFFFF6000  }
0x47: {  	_ =	swait.ge [sflag:s12], $0xA000  }
0x48: {  	[sflag:s12] =	ssyncset.done $0x0  }
0x49: {  	[sflag:s12] =	ssyncadd.s32 $0xFFFF6000  }
0x4a: {  	[tilespmem:s7], [sflag:$0x1] =	stream.indirect.gather [hbm4b:s5+s6], $0x80, s13, s6, $0xb8;
	[tilespmem:$0x14680] =	vst v63  }
0x4b: {  	_ = 	snop  }
0x4c: {  	[hbm4b:s14+s2] =	stream.linear.scatter [tilespmem:s9], [sflag:$0x4], $0xA000, $0x38;
	[tilespmem:$0x14680] =	vst v63  }
0x4d: {  	_ =	swait.ge [sflag:s8], $0xA000  }
0x4e: {  	[sflag:s8] =	ssyncset.done $0x0  }
0x4f: {  	[sflag:s8] =	ssyncadd.s32 $0xFFFF6000  }
0x50: {  	_ =	swait.ge [sflag:s15], $0xA000  }
0x51: {  	[sflag:s15] =	ssyncset.done $0x0  }
0x52: {  	[sflag:s15] =	ssyncadd.s32 $0xFFFF6000  }
0x53: {  	[tilespmem:s9], [sflag:$0x2] =	stream.indirect.gather [hbm4b:s5+s6], $0x80, s16, s6, $0xb8;
	[tilespmem:$0x14680] =	vst v63  }
0x54: {  	_ = 	snop  }
0x55: {  	[hbm4b:s17+s2] =	stream.linear.scatter [tilespmem:s7], [sflag:$0x3], $0xA000, $0x38;
	[tilespmem:$0x14680] =	vst v63  }
0x56: {  	_ =	swait.ge [sflag:s11], $0xA000  }
0x57: {  	[sflag:s11] =	ssyncset.done $0x0  }
0x58: {  	[sflag:s11] =	ssyncadd.s32 $0xFFFF6000  }
0x59: {  	_ =	swait.ge [sflag:s12], $0xA000  }
0x5a: {  	[sflag:s12] =	ssyncset.done $0x0  }
0x5b: {  	[sflag:s12] =	ssyncadd.s32 $0xFFFF6000  }
0x5c: {  	[tilespmem:s7], [sflag:$0x1] =	stream.indirect.gather [hbm4b:s5+s6], $0x80, s18, s6, $0xb8;
	[tilespmem:$0x14680] =	vst v63  }
0x5d: {  	_ = 	snop  }
0x5e: {  	[hbm4b:s19+s2] =	stream.linear.scatter [tilespmem:s9], [sflag:$0x4], $0xA000, $0x38;
	[tilespmem:$0x14680] =	vst v63  }
0x5f: {  	_ =	swait.ge [sflag:s8], $0xA000  }
0x60: {  	[sflag:s8] =	ssyncset.done $0x0  }
0x61: {  	[sflag:s8] =	ssyncadd.s32 $0xFFFF6000  }
0x62: {  	[hbm4b:s20+s2] =	stream.linear.scatter [tilespmem:s7], [sflag:$0x3], $0xA000, $0x38;
	[tilespmem:$0x14680] =	vst v63  }
.Ltmp1:
0x63: {  	_ =	swait.ge [sflag:s12], $0xA000;
	(pc) =	sbr.rel @p0 .LBB2_1-.Ltmp1, $4  }
0x64: {  	[sflag:s12] =	ssyncset.done $0x0  }
0x65: {  	[sflag:s12] =	ssyncadd.s32 $0xFFFF6000  }
0x66: {  	_ =	swait.ge [sflag:s15], $0xA000  }
0x67: {  	[sflag:s15] =	ssyncset.done $0x0  }
.LBB2_2:
0x68: {  	[sflag:s15] =	ssyncadd.s32 $0xFFFF6000  }
0x69: {  	_ =	sfence.sel $0x180000  }
0x6a: {  	[bflag:$0x0] =	sbarrier.arrive $0xFFFF  }
0x6b: {  	p0 =	sne.s32 s0, $0x0;
	_ =	strace $0x9000004D  }
0x6c: {  	s0 =	sadd.s32 @!p0 $0x100000, s1;
	[bflag:$0x2] =	sbarrier.arrive $0xFFFF  }
0x6d: {  	[sflag:s0] =	ssyncadd.tile.s32 @!p0 $0x1;
	_ =	shalt  }
.Lfunc_end2:
_tile_overlayer_lowered:
.L_overlay_start_2:
0x6e: {  	(tag) =	ssettag $0x2  }
0x6f: {  	s0 =	rddreg [dreg:$0x0];
	s2 =	stileid.u32  }
0x70: {  	s1 =	rddreg [dreg:$0x1];
	p0 =	sne.s32 s2, $0x0  }
0x71: {  	s3 =	rddreg [dreg:$0x2];
	[bflag:$0x3] =	sbarrier.arrive $0xFFFF;
	s2 =	simm.s32 @!p0 $0x1C05  }
0x72: {  	[timem:s3], [sflag:s2] =	dma.local @!p0 [hbm:s0], s1  }
0x73: {  	s0 =	simm.s32 @!p0 $0x5  }
0x74: {  	_ =	swait.ge @!p0 [sflag:s0], s1  }
0x75: {  	s1 =	ssub.s32 @!p0 $0x0, s1;
	[sflag:s0] =	ssyncset.done @!p0 $0x0  }
0x76: {  	[sflag:s0] =	ssyncadd.s32 @!p0 s1  }
0x77: {  	[bflag:$0x3] =	sbarrier.arrive $0xFFFF  }
0x78: {  	_ =	shalt  }

// kernel: sc_gather_8.3.cloned.1.call-start
scs
__scs_entry_jumppad:
0x0: {  	(pc) =	sbr.rel $0x88, $3  }
0x1: {  	(tag) =	ssettag $0x0;
	lr =	simm.s32 $0x1  }
0x2: {  	[smem:$0x3F9A] =	sst lr;
	_ =	strace $0xD0000000  }
0x3: {  	_ = 	snop  }
0x4: {  	_ = 	snop  }
0x5: {  	_ = 	snop  }
0x6: {  	_ = 	snop  }
0x7: {  	_ = 	snop  }
__scs_overlays_trampoline_lowered:
0x8: {  	[smem:$0x3FA9] =	sst s0  }
0x9: {  	[smem:$0x3FAA] =	sst s1  }
0xa: {  	[smem:$0x3FAB] =	sst s2  }
0xb: {  	[smem:$0x3FAC] =	sst s3  }
0xc: {  	[smem:$0x3FAD] =	sst s4  }
0xd: {  	[smem:$0x3FAE] =	sst s5  }
0xe: {  	[smem:$0x3FAF] =	sst s6  }
0xf: {  	[smem:$0x3FB0] =	sst s7  }
0x10: {  	[smem:$0x3FB1] =	sst s8  }
0x11: {  	[smem:$0x3FB2] =	sst s9;
	s0 =	simm.s32 @!p0 $0x0  }
0x12: {  	s1 =	sld [smem:$0x3F98];
	s0 =	simm.s32 @p0 $0x1  }
0x13: {  	[smem:$0x3FB3] =	sst s0;
	s0 =	simm.s32 @!p1 $0x0  }
0x14: {  	s2 =	sld [smem:$0x3F97];
	s0 =	simm.s32 @p1 $0x1  }
0x15: {  	[smem:$0x3FB4] =	sst s0;
	s0 =	simm.s32 @!p2 $0x0  }
0x16: {  	s3 =	sld [smem:$0x3FDB];
	s0 =	simm.s32 @p2 $0x1  }
0x17: {  	s4 =	simm.s32 $0x1BF5;
	[smem:$0x3FB6] =	sst s0  }
0x18: {  	s0 =	sld [smem:$0x3F99];
	_ =	swait.ge [sflag:s4], $0x0  }
0x19: {  	s7 =	sld [smem:$0x3F9A]  }
0x1a: {  	s8 =	sadd.s32 $0xFFFFE003, lr  }
0x1b: {  	s9 =	sadd.s32 $0xFFFFFEF7, lr;
	s5 =	simm.s32 $0xFFFFFFFF;
	p2 =	slt.u32 s8, $0xFFFFF086  }
0x1c: {  	p1 =	slt.u32 s9, $0xF7A;
	s5 =	simm.s32 @!p2 $0x0  }
0x1d: {  	s5 =	simm.s32 @p1 $0x1;
	p0 =	seq.s32 s7, s2  }
0x1e: {  	s7 =	smul.u32 @!p0 $0xF7A, s2;
	p2 =	seq.s32 @!p0 s5, $0x0  }
0x1f: {  	s9 =	smul.u32 $0xF7A, s1;
	s8 =	simm.s32 @!p0 $0x1BF5;
	p2 =	por !p2, p0  }
0x20: {  	[sflag:s8] =	ssyncset.s32 @!p0 $0xFFFFF086;
	s6 =	sadd.s32 @!p0 s3, s7;
	s7 =	simm.s32 @!p0 $0x108  }
0x21: {  	s3 =	sadd.s32 s3, s9;
	s6 =	sadd.s32 @!p0 $0x88, s6;
	s7 =	simm.s32 @p2 $0x1082  }
0x22: {  	[simem:s7], [sflag:s8] =	dma.local @!p0 [hbm:s6], $0xF7A  }
0x23: {  	s9 =	sor.u32 $0xD0000000, s2;
	s6 =	simm.s32 $0x108;
	_ =	swait.ge @!p0 [sflag:s8], $0x0  }
0x24: {  	s3 =	sadd.s32 $0x88, s3;
	s6 =	simm.s32 @!p1 $0x1082;
	[sflag:s4] =	ssyncset.s32 $0xFFFFF086  }
0x25: {  	[simem:s6], [sflag:s4] =	dma.local [hbm:s3], $0xF7A  }
0x26: {  	[smem:$0x3F9A] =	sst s1;
	(tag) =	ssettag s2;
	_ =	strace s9  }
0x27: {  	s1 =	sld [smem:$0x3FAA]  }
0x28: {  	s2 =	sld [smem:$0x3FAB]  }
0x29: {  	s4 =	sld [smem:$0x3FAD]  }
0x2a: {  	p0 =	seq.s32 s5, $0x0;
	s5 =	sld [smem:$0x3FAE]  }
0x2b: {  	s6 =	sld [smem:$0x3FAF]  }
0x2c: {  	s7 =	sld [smem:$0x3FB0]  }
0x2d: {  	s3 =	simm.s32 $0x108;
	s8 =	sld [smem:$0x3FB1]  }
0x2e: {  	s3 =	simm.s32 @!p0 $0x1082;
	s9 =	sld [smem:$0x3FB2]  }
0x2f: {  	lr =	sadd.s32 s0, s3;
	s0 =	sld [smem:$0x3FA9]  }
0x30: {  	s3 =	sld [smem:$0x3FAC]  }
0x31: {  	[smem:$0x3FB5] =	sst s10  }
0x32: {  	s10 =	sld [smem:$0x3FB3];
	_ =	sdelay $0x3  }
0x33: {  	p0 =	seq.s32 s10, $0x1;
	s10 =	sld [smem:$0x3FB5];
	_ =	sdelay $0x3  }
0x34: {  	[smem:$0x3FB5] =	sst s10  }
0x35: {  	s10 =	sld [smem:$0x3FB4];
	_ =	sdelay $0x3  }
0x36: {  	p1 =	seq.s32 s10, $0x1;
	s10 =	sld [smem:$0x3FB5];
	_ =	sdelay $0x3  }
0x37: {  	[smem:$0x3FB5] =	sst s10  }
0x38: {  	s10 =	sld [smem:$0x3FB6]  }
0x39: {  	_ = 	snop;
	(pc) =	sbr.ind lr, $3  }
0x3a: {  	_ = 	snop  }
0x3b: {  	_ = 	snop  }
0x3c: {  	p2 =	seq.s32 s10, $0x1;
	s10 =	sld [smem:$0x3FB5]  }
0x3d: {  	_ =	shalt  }
0x3e: {  	_ =	shalt  }
0x3f: {  	_ =	shalt  }
0x40: {  	_ =	shalt  }
0x41: {  	_ =	shalt  }
0x42: {  	_ =	shalt  }
0x43: {  	_ =	shalt  }
0x44: {  	_ =	shalt  }
0x45: {  	_ =	shalt  }
0x46: {  	_ =	shalt  }
0x47: {  	_ =	shalt  }
0x48: {  	_ =	shalt  }
0x49: {  	_ =	shalt  }
0x4a: {  	_ =	shalt  }
0x4b: {  	_ =	shalt  }
0x4c: {  	_ =	shalt  }
0x4d: {  	_ =	shalt  }
0x4e: {  	_ =	shalt  }
0x4f: {  	_ =	shalt  }
0x50: {  	_ =	shalt  }
0x51: {  	_ =	shalt  }
0x52: {  	_ =	shalt  }
0x53: {  	_ =	shalt  }
0x54: {  	_ =	shalt  }
0x55: {  	_ =	shalt  }
0x56: {  	_ =	shalt  }
0x57: {  	_ =	shalt  }
0x58: {  	_ =	shalt  }
0x59: {  	_ =	shalt  }
0x5a: {  	_ =	shalt  }
0x5b: {  	_ =	shalt  }
0x5c: {  	_ =	shalt  }
0x5d: {  	_ =	shalt  }
0x5e: {  	_ =	shalt  }
0x5f: {  	_ =	shalt  }
0x60: {  	_ =	shalt  }
0x61: {  	_ =	shalt  }
0x62: {  	_ =	shalt  }
0x63: {  	_ =	shalt  }
0x64: {  	_ =	shalt  }
0x65: {  	_ =	shalt  }
0x66: {  	_ =	shalt  }
0x67: {  	_ =	shalt  }
0x68: {  	_ =	shalt  }
0x69: {  	_ =	shalt  }
0x6a: {  	_ =	shalt  }
0x6b: {  	_ =	shalt  }
0x6c: {  	_ =	shalt  }
0x6d: {  	_ =	shalt  }
0x6e: {  	_ =	shalt  }
0x6f: {  	_ =	shalt  }
0x70: {  	_ =	shalt  }
0x71: {  	_ =	shalt  }
0x72: {  	_ =	shalt  }
0x73: {  	_ =	shalt  }
0x74: {  	_ =	shalt  }
0x75: {  	_ =	shalt  }
0x76: {  	_ =	shalt  }
0x77: {  	_ =	shalt  }
0x78: {  	_ =	shalt  }
0x79: {  	_ =	shalt  }
0x7a: {  	_ =	shalt  }
0x7b: {  	_ =	shalt  }
0x7c: {  	_ =	shalt  }
0x7d: {  	_ =	shalt  }
0x7e: {  	_ =	shalt  }
0x7f: {  	_ =	shalt  }
0x80: {  	_ =	shalt  }
0x81: {  	_ =	shalt  }
0x82: {  	_ =	shalt  }
0x83: {  	_ =	shalt  }
0x84: {  	_ =	shalt  }
0x85: {  	_ =	shalt  }
0x86: {  	_ =	shalt  }
0x87: {  	_ =	shalt  }
.Lfunc_end0:
.L_simem_size_0:
called_computation.3_lowered:
.L_overlay_start_0:
0x88: {  	s2 =	sld [smem:$0x3FD9]  }
0x89: {  	s3 =	sld [smem:$0x3FFE];
	_ =	sdelay $0x1  }
0x8a: {  	s1 =	srdreg.scid  }
0x8b: {  	s0 =	sand.u32 $0x1, s1  }
0x8c: {  	s17 =	sshll.u32 s0, $0xA;
	s2 =	sadd.s32 s3, s2  }
0x8d: {  	s2 =	sadd.s32 s2, s17  }
0x8e: {  	[smem:$0x3FC1] =	sst s2  }
0x8f: {  	_ = 	snop  }
0x90: {  	(tm) =	ssettm $0x1  }
0x91: {  	s18 =	sld [smem:$0x3FFB];
	_ =	sdelay $0x3  }
0x92: {  	_ =	strace s18  }
0x93: {  	s2 =	sld [smem:$0x3FFC];
	_ =	sdelay $0x3  }
0x94: {  	_ =	strace s2  }
0x95: {  	s2 =	sld [smem:$0x3FFD];
	_ =	sdelay $0x3  }
0x96: {  	_ =	strace s2  }
0x97: {  	_ =	strace $0x8FFFFFFF  }
0x98: {  	s19 =	sld [smem:$0x3FDB];
	_ =	sdelay $0x1  }
0x99: {  	s20 =	simm.s32 $_scs_section_size  }
0x9a: {  	s4 =	simm.s32 $_size__tile_overlayer_lowered;
	s5 =	simm.s32 $_tile_overlayer_lowered  }
0x9b: {  	s6 =	simm.s32 $0x1BFF;
	s21 =	sshll.u32 s5, $0x1;
	s3 =	sadd.s32 s20, s19  }
0x9c: {  	s22 =	simm.s32 $0x0;
	s4 =	sshll.u32 s4, $0x1;
	s5 =	sadd.s32 s21, s3  }
0x9d: {  	[timem:s22], [sflag:s6] =	dma.local [hbm:s5], s4  }
0x9e: {  	_ =	swait.ge [sflag:s6], s4  }
0x9f: {  	s4 =	ssub.s32 $0x0, s4;
	[sflag:s6] =	ssyncset.done $0x0  }
0xa0: {  	[sflag:s6] =	ssyncadd.s32 s4;
	_ =	sdelay $0x1  }
0xa1: {  	s23 =	simm.s32 $0x1B8B  }
0xa2: {  	_ =	swait.ge [sflag:s23], $0x1  }
0xa3: {  	[sflag:s23] =	ssyncset.done $0x0  }
0xa4: {  	[sflag:s23] =	ssyncadd.s32 $0xFFFFFFFF  }
0xa5: {  	s4 =	sld [smem:$0x0]  }
0xa6: {  	s5 =	sand.u32 $0xFFFFFFFE, s1  }
0xa7: {  	p0 =	sne.s32 s1, s5  }
0xa8: {  	s5 =	sshll.u32 @p0 s5, $0xE  }
0xa9: {  	s5 =	sadd.s32 @p0 $0x11B8D, s5;
	s6 =	sshll.u32 @p0 s4, $0x11  }
0xaa: {  	s5 =	sor.u32 @p0 s6, s5  }
0xab: {  	[sflag:s5] =	ssyncadd.remote.s32 @p0 $0x1;
	_ =	sdelay $0x1  }
0xac: {  	s5 =	simm.s32 @p0 $0x1B8D  }
0xad: {  	_ =	swait.eq @p0 [sflag:s5], $0x1  }
0xae: {  	[sflag:s5] =	ssyncadd.s32 @p0 $0xFFFFFFFF  }
0xaf: {  	s6 =	sshll.u32 @!p0 s1, $0xE  }
0xb0: {  	s6 =	sor.u32 @!p0 $0x4000, s6;
	s5 =	simm.s32 @!p0 $0x1B8D  }
0xb1: {  	s4 =	sshll.u32 @!p0 s4, $0x11;
	s6 =	sadd.s32 @!p0 $0x11B8D, s6;
	_ =	swait.eq @!p0 [sflag:s5], $0x1  }
0xb2: {  	s4 =	sor.u32 @!p0 s4, s6;
	[sflag:s5] =	ssyncadd.s32 @!p0 $0xFFFFFFFF  }
0xb3: {  	s25 =	simm.s32 $0x1B8E;
	s24 =	sld [smem:$0x3FFE];
	[sflag:s4] =	ssyncadd.remote.s32 @!p0 $0x1  }
0xb4: {  	s26 =	simm.s32 $execute0_lowered;
	[smem:$0x3FD2] =	sst s25  }
0xb5: {  	s5 =	sshll.u32 s26, $0x1;
	_ =	strace $0x8000004F;
	[dreg:$0x1] =	wrdreg $0xFFFFFFFF  }
0xb6: {  	s28 =	simm.s32 $_size_execute0_lowered;
	s3 =	sadd.s32 s3, s5;
	[dreg:$0x0] =	wrdreg $0x0  }
0xb7: {  	s5 =	sshll.u32 s28, $0x1;
	[dreg:$0x2] =	wrdreg s3  }
0xb8: {  	[dreg:$0x3] =	wrdreg s5  }
0xb9: {  	[dreg:$0x4] =	wrdreg $0xC0  }
0xba: {  	_ =	task [dreg:s22], $0x5FFFF  }
0xbb: {  	[dreg:$0x1] =	wrdreg $0xFFFFFFFF  }
0xbc: {  	[dreg:$0x0] =	wrdreg $0x60  }
0xbd: {  	[dreg:$0x2] =	wrdreg s24  }
0xbe: {  	[dreg:$0x3] =	wrdreg $0xC  }
0xbf: {  	_ =	task.clear_ibuf [dreg:s22], $0x4FFFF;
	_ =	strace $0x9000004F  }
0xc0: {  	s29 =	simm.s32 $0xC;
	_ =	strace $0x80000051  }
0xc1: {  	_ =	swait.ge [sflag:s29], $0x1  }
0xc2: {  	[sflag:s29] =	ssyncadd.s32 $0xFFFFFFFF  }
0xc3: {  	_ =	strace $0x90000051  }
0xc4: {  	_ =	sfence  }
0xc5: {  	s30 =	sld [smem:$0x0];
	_ =	sdelay $0x2  }
0xc6: {  	s31 =	sshll.u32 s1, $0xD;
	s1 =	sshrl.u32 s1, $0x2  }
0xc7: {  	s4 =	sand.u32 $0x4000, s31;
	s1 =	sadd.s32 s1, s30  }
0xc8: {  	s0 =	sor.u32 s4, s0;
	s1 =	sshll.u32 s1, $0x11  }
0xc9: {  	s0 =	sor.u32 s1, s0  }
0xca: {  	s0 =	sadd.s32 $0x8F2B, s0  }
0xcb: {  	[sflag:s0] =	ssyncadd.remote.s32 $0x1  }
0xcc: {  	_ =	sfence.sel $0xFFFF  }
0xcd: {  	[dreg:$0x0] =	wrdreg $0xFFFFFFFF;
	(pc) =	sbr.abs _section_cstart, $3  }
0xce: {  	[dreg:$0x1] =	wrdreg $0xFFFFFFFF  }
0xcf: {  	_ =	task.clear_ibuf [dreg:s22], $0x2FFFF;
	_ =	strace $0x9FFFFFFF  }
0xd0: {  	(tm) =	ssettm $0x7FFFFFFF  }
0xd1: {  	_ =	shalt  }
tec
execute0_lowered:
.L_overlay_start_1:
0x0: {  	(tag) =	ssettag $0x1  }
0x1: {  	s1 =	srdreg.scid;
	s0 =	stileid.u32  }
0x2: {  	s22 =	sand.u32 $0x1, s1;
	s30 =	sshll.u32 s0, $0x1  }
0x3: {  	s12 =	sor.u32 s22, s30  }
0x4: {  	s1 =	smul.u32 $0x780, s12;
	_ =	sdelay $0x1  }
0x5: {  	s10 =	sadd.s32 $0x14000, s1  }
0x6: {  	s9 =	rddreg [dreg:$0x0];
	s2 =	simm.s32 $0x0;
	s3 =	sshrl.u32 s10, $0x3  }
0x7: {  	s4 =	simm.s32 $0x5;
	[smem:$0x7FF] =	sst s2;
	s3 =	sadd.s32 s3, s9  }
0x8: {  	s1 =	rddreg [dreg:$0x1];
	_ =	strace $0x80000050;
	s3 =	sadd.s32 $0x1A00, s3  }
0x9: {  	[tilespmem:s2], [sflag:$0x5] =	stream.linear.gather [hbm4b:s3+s2], $0x780, $0x38;
	[tilespmem:$0x14780] =	vst v63  }
0xa: {  	_ =	swait.ge [sflag:s4], $0x780  }
0xb: {  	s6 =	simm.s32 $0x140;
	s7 =	simm.s32 $0x780;
	[sflag:s4] =	ssyncset.done $0x0  }
0xc: {  	s8 =	simm.s32 $0x1;
	s5 =	sadd.s32 $0x7E00, s9;
	[sflag:s4] =	ssyncadd.s32 $0xFFFFF880  }
0xd: {  	[tilespmem:s7], [sflag:$0x1] =	stream.indirect.gather [hbm4b:s5+s6], $0x80, s2, s6, $0xb8;
	[tilespmem:$0x14780] =	vst v63  }
0xe: {  	_ =	swait.ge [sflag:s8], $0xA000  }
0xf: {  	s13 =	sadd.s32 $0xAEE800, s9;
	[sflag:s8] =	ssyncset.done $0x0  }
0x10: {  	s10 =	sshll.u32 s10, $0x4;
	s9 =	simm.s32 $0xA780;
	[sflag:s8] =	ssyncadd.s32 $0xFFFF6000  }
0x11: {  	[tilespmem:s9], [sflag:$0x2] =	stream.indirect.gather [hbm4b:s5+s6], $0x80, s6, s6, $0xb8;
	[tilespmem:$0x14780] =	vst v63  }
0x12: {  	s11 =	simm.s32 $0x2;
	s10 =	sadd.s32 s13, s10  }
0x13: {  	[hbm4b:s10+s2] =	stream.linear.scatter [tilespmem:s7], [sflag:$0x3], $0xA000, $0x38;
	[tilespmem:$0x14780] =	vst v63  }
0x14: {  	_ =	swait.ge [sflag:s11], $0xA000  }
0x15: {  	[sflag:s11] =	ssyncset.done $0x0  }
0x16: {  	s14 =	smul.u32 $0x3C000, s12;
	s12 =	simm.s32 $0x3;
	[sflag:s11] =	ssyncadd.s32 $0xFFFF6000  }
0x17: {  	_ =	swait.ge [sflag:s12], $0xA000  }
0x18: {  	s14 =	sshrl.u32 s14, $0x3;
	[sflag:s12] =	ssyncset.done $0x0  }
0x19: {  	s23 =	sadd.s32 s13, s14;
	s13 =	simm.s32 $0x280;
	[sflag:s12] =	ssyncadd.s32 $0xFFFF6000  }
0x1a: {  	[tilespmem:s7], [sflag:$0x1] =	stream.indirect.gather [hbm4b:s5+s6], $0x80, s13, s6, $0xb8;
	[tilespmem:$0x14780] =	vst v63  }
0x1b: {  	s14 =	sadd.s32 $0x141400, s23  }
0x1c: {  	[hbm4b:s14+s2] =	stream.linear.scatter [tilespmem:s9], [sflag:$0x4], $0xA000, $0x38;
	[tilespmem:$0x14780] =	vst v63  }
0x1d: {  	_ =	swait.ge [sflag:s8], $0xA000  }
0x1e: {  	[sflag:s8] =	ssyncset.done $0x0  }
0x1f: {  	s15 =	simm.s32 $0x4;
	[sflag:s8] =	ssyncadd.s32 $0xFFFF6000  }
0x20: {  	_ =	swait.ge [sflag:s15], $0xA000  }
0x21: {  	[sflag:s15] =	ssyncset.done $0x0  }
0x22: {  	s16 =	simm.s32 $0x3C0;
	[sflag:s15] =	ssyncadd.s32 $0xFFFF6000  }
0x23: {  	[tilespmem:s9], [sflag:$0x2] =	stream.indirect.gather [hbm4b:s5+s6], $0x80, s16, s6, $0xb8;
	[tilespmem:$0x14780] =	vst v63  }
0x24: {  	s17 =	sadd.s32 $0x142800, s23  }
0x25: {  	[hbm4b:s17+s2] =	stream.linear.scatter [tilespmem:s7], [sflag:$0x3], $0xA000, $0x38;
	[tilespmem:$0x14780] =	vst v63  }
0x26: {  	_ =	swait.ge [sflag:s11], $0xA000  }
0x27: {  	[sflag:s11] =	ssyncset.done $0x0  }
0x28: {  	[sflag:s11] =	ssyncadd.s32 $0xFFFF6000  }
0x29: {  	_ =	swait.ge [sflag:s12], $0xA000  }
0x2a: {  	[sflag:s12] =	ssyncset.done $0x0  }
0x2b: {  	s18 =	simm.s32 $0x500;
	[sflag:s12] =	ssyncadd.s32 $0xFFFF6000  }
0x2c: {  	[tilespmem:s7], [sflag:$0x1] =	stream.indirect.gather [hbm4b:s5+s6], $0x80, s18, s6, $0xb8;
	[tilespmem:$0x14780] =	vst v63  }
0x2d: {  	s19 =	sadd.s32 $0x143C00, s23  }
0x2e: {  	[hbm4b:s19+s2] =	stream.linear.scatter [tilespmem:s9], [sflag:$0x4], $0xA000, $0x38;
	[tilespmem:$0x14780] =	vst v63  }
0x2f: {  	_ =	swait.ge [sflag:s8], $0xA000  }
0x30: {  	[sflag:s8] =	ssyncset.done $0x0  }
0x31: {  	[sflag:s8] =	ssyncadd.s32 $0xFFFF6000  }
0x32: {  	_ =	swait.ge [sflag:s15], $0xA000  }
0x33: {  	[sflag:s15] =	ssyncset.done $0x0  }
0x34: {  	s20 =	simm.s32 $0x640;
	s24 =	ssub.s32 $0x2, s22;
	[sflag:s15] =	ssyncadd.s32 $0xFFFF6000  }
0x35: {  	[tilespmem:s9], [sflag:$0x2] =	stream.indirect.gather [hbm4b:s5+s6], $0x80, s20, s6, $0xb8;
	[tilespmem:$0x14780] =	vst v63  }
0x36: {  	s31 =	sshrl.u32 s24, $0x1;
	s21 =	sadd.s32 $0x145000, s23  }
0x37: {  	[hbm4b:s21+s2] =	stream.linear.scatter [tilespmem:s7], [sflag:$0x3], $0xA000, $0x38;
	[tilespmem:$0x14780] =	vst v63  }
0x38: {  	s22 =	sadd.s32 $0x146400, s23;
	s23 =	ssub.s32 s24, s31;
	_ =	swait.ge [sflag:s11], $0xA000  }
0x39: {  	s23 =	smax.u32 s23, $0x1;
	[sflag:s11] =	ssyncset.done $0x0  }
0x3a: {  	p0 =	sne.s32 s23, $0x1;
	[sflag:s11] =	ssyncadd.s32 $0xFFFF6000  }
0x3b: {  	[hbm4b:s22+s2] =	stream.linear.scatter [tilespmem:s9], [sflag:$0x4], $0xA000, $0x38;
	[tilespmem:$0x14780] =	vst v63  }
.Ltmp0:
0x3c: {  	_ =	swait.ge [sflag:s12], $0xA000;
	(pc) =	sbr.rel @!p0 .LBB2_2-.Ltmp0, $4  }
0x3d: {  	[sflag:s12] =	ssyncset.done $0x0  }
0x3e: {  	[sflag:s12] =	ssyncadd.s32 $0xFFFF6000  }
0x3f: {  	_ =	swait.ge [sflag:s15], $0xA000  }
0x40: {  	s23 =	sadd.s32 $0xFFFFFFFF, s23;
	[sflag:s15] =	ssyncset.done $0x0  }
.LBB2_1:
0x41: {  	p0 =	sne.s32 s23, $0x1;
	s23 =	sadd.s32 $0xFFFFFFFF, s23;
	[sflag:s15] =	ssyncadd.s32 $0xFFFF6000  }
0x42: {  	[tilespmem:s2], [sflag:$0x5] =	stream.linear.gather [hbm4b:s3+s2], $0x780, $0x38;
	[tilespmem:$0x14780] =	vst v63  }
0x43: {  	_ =	swait.ge [sflag:s4], $0x780  }
0x44: {  	[sflag:s4] =	ssyncset.done $0x0  }
0x45: {  	[sflag:s4] =	ssyncadd.s32 $0xFFFFF880  }
0x46: {  	[tilespmem:s7], [sflag:$0x1] =	stream.indirect.gather [hbm4b:s5+s6], $0x80, s2, s6, $0xb8;
	[tilespmem:$0x14780] =	vst v63  }
0x47: {  	_ =	swait.ge [sflag:s8], $0xA000  }
0x48: {  	[sflag:s8] =	ssyncset.done $0x0  }
0x49: {  	[sflag:s8] =	ssyncadd.s32 $0xFFFF6000  }
0x4a: {  	[tilespmem:s9], [sflag:$0x2] =	stream.indirect.gather [hbm4b:s5+s6], $0x80, s6, s6, $0xb8;
	[tilespmem:$0x14780] =	vst v63  }
0x4b: {  	_ = 	snop  }
0x4c: {  	[hbm4b:s10+s2] =	stream.linear.scatter [tilespmem:s7], [sflag:$0x3], $0xA000, $0x38;
	[tilespmem:$0x14780] =	vst v63  }
0x4d: {  	_ =	swait.ge [sflag:s11], $0xA000  }
0x4e: {  	[sflag:s11] =	ssyncset.done $0x0  }
0x4f: {  	[sflag:s11] =	ssyncadd.s32 $0xFFFF6000  }
0x50: {  	_ =	swait.ge [sflag:s12], $0xA000  }
0x51: {  	[sflag:s12] =	ssyncset.done $0x0  }
0x52: {  	[sflag:s12] =	ssyncadd.s32 $0xFFFF6000  }
0x53: {  	[tilespmem:s7], [sflag:$0x1] =	stream.indirect.gather [hbm4b:s5+s6], $0x80, s13, s6, $0xb8;
	[tilespmem:$0x14780] =	vst v63  }
0x54: {  	_ = 	snop  }
0x55: {  	[hbm4b:s14+s2] =	stream.linear.scatter [tilespmem:s9], [sflag:$0x4], $0xA000, $0x38;
	[tilespmem:$0x14780] =	vst v63  }
0x56: {  	_ =	swait.ge [sflag:s8], $0xA000  }
0x57: {  	[sflag:s8] =	ssyncset.done $0x0  }
0x58: {  	[sflag:s8] =	ssyncadd.s32 $0xFFFF6000  }
0x59: {  	_ =	swait.ge [sflag:s15], $0xA000  }
0x5a: {  	[sflag:s15] =	ssyncset.done $0x0  }
0x5b: {  	[sflag:s15] =	ssyncadd.s32 $0xFFFF6000  }
0x5c: {  	[tilespmem:s9], [sflag:$0x2] =	stream.indirect.gather [hbm4b:s5+s6], $0x80, s16, s6, $0xb8;
	[tilespmem:$0x14780] =	vst v63  }
0x5d: {  	_ = 	snop  }
0x5e: {  	[hbm4b:s17+s2] =	stream.linear.scatter [tilespmem:s7], [sflag:$0x3], $0xA000, $0x38;
	[tilespmem:$0x14780] =	vst v63  }
0x5f: {  	_ =	swait.ge [sflag:s11], $0xA000  }
0x60: {  	[sflag:s11] =	ssyncset.done $0x0  }
0x61: {  	[sflag:s11] =	ssyncadd.s32 $0xFFFF6000  }
0x62: {  	_ =	swait.ge [sflag:s12], $0xA000  }
0x63: {  	[sflag:s12] =	ssyncset.done $0x0  }
0x64: {  	[sflag:s12] =	ssyncadd.s32 $0xFFFF6000  }
0x65: {  	[tilespmem:s7], [sflag:$0x1] =	stream.indirect.gather [hbm4b:s5+s6], $0x80, s18, s6, $0xb8;
	[tilespmem:$0x14780] =	vst v63  }
0x66: {  	_ = 	snop  }
0x67: {  	[hbm4b:s19+s2] =	stream.linear.scatter [tilespmem:s9], [sflag:$0x4], $0xA000, $0x38;
	[tilespmem:$0x14780] =	vst v63  }
0x68: {  	_ =	swait.ge [sflag:s8], $0xA000  }
0x69: {  	[sflag:s8] =	ssyncset.done $0x0  }
0x6a: {  	[sflag:s8] =	ssyncadd.s32 $0xFFFF6000  }
0x6b: {  	_ =	swait.ge [sflag:s15], $0xA000  }
0x6c: {  	[sflag:s15] =	ssyncset.done $0x0  }
0x6d: {  	[sflag:s15] =	ssyncadd.s32 $0xFFFF6000  }
0x6e: {  	[tilespmem:s9], [sflag:$0x2] =	stream.indirect.gather [hbm4b:s5+s6], $0x80, s20, s6, $0xb8;
	[tilespmem:$0x14780] =	vst v63  }
0x6f: {  	_ = 	snop  }
0x70: {  	[hbm4b:s21+s2] =	stream.linear.scatter [tilespmem:s7], [sflag:$0x3], $0xA000, $0x38;
	[tilespmem:$0x14780] =	vst v63  }
0x71: {  	_ =	swait.ge [sflag:s11], $0xA000  }
0x72: {  	[sflag:s11] =	ssyncset.done $0x0  }
0x73: {  	[sflag:s11] =	ssyncadd.s32 $0xFFFF6000  }
0x74: {  	[hbm4b:s22+s2] =	stream.linear.scatter [tilespmem:s9], [sflag:$0x4], $0xA000, $0x38;
	[tilespmem:$0x14780] =	vst v63  }
.Ltmp1:
0x75: {  	_ =	swait.ge [sflag:s12], $0xA000;
	(pc) =	sbr.rel @p0 .LBB2_1-.Ltmp1, $4  }
0x76: {  	[sflag:s12] =	ssyncset.done $0x0  }
0x77: {  	[sflag:s12] =	ssyncadd.s32 $0xFFFF6000  }
0x78: {  	_ =	swait.ge [sflag:s15], $0xA000  }
0x79: {  	[sflag:s15] =	ssyncset.done $0x0  }
.LBB2_2:
0x7a: {  	[sflag:s15] =	ssyncadd.s32 $0xFFFF6000  }
0x7b: {  	_ =	sfence.sel $0x180000  }
0x7c: {  	[bflag:$0x0] =	sbarrier.arrive $0xFFFF  }
0x7d: {  	p0 =	sne.s32 s0, $0x0;
	_ =	strace $0x90000050  }
0x7e: {  	s0 =	sadd.s32 @!p0 $0x100000, s1;
	[bflag:$0x2] =	sbarrier.arrive $0xFFFF  }
0x7f: {  	[sflag:s0] =	ssyncadd.tile.s32 @!p0 $0x1;
	_ =	shalt  }
.Lfunc_end2:
_tile_overlayer_lowered:
.L_overlay_start_2:
0x80: {  	(tag) =	ssettag $0x2  }
0x81: {  	s0 =	rddreg [dreg:$0x0];
	s2 =	stileid.u32  }
0x82: {  	s1 =	rddreg [dreg:$0x1];
	p0 =	sne.s32 s2, $0x0  }
0x83: {  	s3 =	rddreg [dreg:$0x2];
	[bflag:$0x3] =	sbarrier.arrive $0xFFFF;
	s2 =	simm.s32 @!p0 $0x1C05  }
0x84: {  	[timem:s3], [sflag:s2] =	dma.local @!p0 [hbm:s0], s1  }
0x85: {  	s0 =	simm.s32 @!p0 $0x5  }
0x86: {  	_ =	swait.ge @!p0 [sflag:s0], s1  }
0x87: {  	s1 =	ssub.s32 @!p0 $0x0, s1;
	[sflag:s0] =	ssyncset.done @!p0 $0x0  }
0x88: {  	[sflag:s0] =	ssyncadd.s32 @!p0 s1  }
0x89: {  	[bflag:$0x3] =	sbarrier.arrive $0xFFFF  }
0x8a: {  	_ =	shalt  }

</sc_bundles>
